<compile_context>
chip_gen: v7x
topology: tpu7x:2x2x1
jax: 0.10.2.dev20260603
libtpu: 0.0.44.dev20260713+nightly
codegen_flags: <defaults>
</compile_context>

<pallas_src>
import functools

import jax
import jax.numpy as jnp
from jax import lax
from jax.experimental import pallas as pl
from jax.experimental.pallas import tpu as pltpu
from jax.experimental.pallas import tpu_sc as plsc

_N = 16 * 512 * 512
_K = max(int(_N * 0.25), 100000)
_R, _C = 8192, 512
_BR = 1024
_NBLK = _R // _BR

_NW = 32
_E = _N // _NW
_CH = 16384
_NCH = _E // _CH
_B1 = 32768
_B2 = 65536


def _loss_body(lg_ref, tg_ref, out_ref):
    x = lg_ref[...]
    t = tg_ref[...]
    out_ref[...] = jnp.maximum(x, 0.0) - x * t + jnp.log1p(jnp.exp(-jnp.abs(x)))


def _loss_tc(x, t):
    return pl.pallas_call(
        _loss_body,
        grid=(_NBLK,),
        in_specs=[
            pl.BlockSpec((_BR, _C), lambda b: (b, 0)),
            pl.BlockSpec((_BR, _C), lambda b: (b, 0)),
        ],
        out_specs=pl.BlockSpec((_BR, _C), lambda b: (b, 0)),
        out_shape=jax.ShapeDtypeStruct((_R, _C), jnp.float32),
    )(x, t)


_MESH = plsc.VectorSubcoreMesh(core_axis_name="c", subcore_axis_name="s")


@functools.partial(
    pl.kernel,
    out_type=jax.ShapeDtypeStruct((_NW, _B1), jnp.int32),
    mesh=_MESH,
    compiler_params=pltpu.CompilerParams(needs_layout_passes=False),
    scratch_types=(
        pltpu.VMEM((_CH,), jnp.float32),
        pltpu.VMEM((_CH,), jnp.float32),
        pltpu.VMEM((_B1,), jnp.int32),
        pltpu.SemaphoreType.DMA,
        pltpu.SemaphoreType.DMA,
    ),
)
def _sc_hist1(loss_hbm, cnt_out, buf0, buf1, cnt_v, sem0, sem1):
    wid = lax.axis_index("s") * 2 + lax.axis_index("c")
    base = wid * _E
    bufs = (buf0, buf1)
    sems = (sem0, sem1)

    zi = jnp.zeros((16,), jnp.int32)

    @plsc.parallel_loop(0, _B1 // 16, unroll=8)
    def _zero(i):
        cnt_v[pl.ds(i * 16, 16)] = zi

    ones = jnp.ones((16,), jnp.int32)
    descs = [pltpu.async_copy(loss_hbm.at[pl.ds(base, _CH)], buf0, sem0)]
    for k in range(_NCH):
        if k + 1 < _NCH:
            nb = (k + 1) % 2
            descs.append(
                pltpu.async_copy(
                    loss_hbm.at[pl.ds(base + (k + 1) * _CH, _CH)], bufs[nb], sems[nb]
                )
            )
        descs[k].wait()
        buf = bufs[k % 2]

        def _vbody(i, buf=buf):
            v = buf[pl.ds(i * 16, 16)]
            bits = plsc.bitcast(v, jnp.int32)
            h = bits >> 16
            plsc.addupdate_scatter(cnt_v, [h], ones)

        plsc.parallel_loop(0, _CH // 16, unroll=8)(_vbody)

    pltpu.sync_copy(cnt_v, cnt_out.at[wid])


def _glue1_body(cnt_ref, bvec_ref, ca_ref):
    hist = jnp.sum(cnt_ref[...], axis=0, keepdims=True)
    j = lax.broadcasted_iota(jnp.int32, (1, _B1), 1)

    def _bs(_, lohi):
        lo, hi = lohi
        mid = (lo + hi) // 2
        s = jnp.sum(jnp.where(j >= mid, hist, 0))
        ok = s >= _K
        return jnp.where(ok, mid, lo), jnp.where(ok, hi, mid)

    bb, _ = lax.fori_loop(0, 15, _bs, (jnp.int32(0), jnp.int32(_B1)))
    ca = jnp.sum(jnp.where(j > bb, hist, 0))
    bvec_ref[...] = jnp.full((1, 128), bb, jnp.int32)
    ca_ref[...] = jnp.full((1, 1), ca, jnp.int32)


def _glue1(cnt1):
    return pl.pallas_call(
        _glue1_body,
        out_shape=(
            jax.ShapeDtypeStruct((1, 128), jnp.int32),
            jax.ShapeDtypeStruct((1, 1), jnp.int32),
        ),
    )(cnt1)


def _sumpass_body(loss_ref, bvec_ref, sa_ref, acc_ref):
    b = pl.program_id(0)

    @pl.when(b == 0)
    def _init():
        acc_ref[0] = jnp.float32(0.0)

    bb = jnp.max(bvec_ref[...])
    l = loss_ref[...]
    bits = lax.bitcast_convert_type(l, jnp.int32)
    m = (bits >> 16) > bb
    acc_ref[0] = acc_ref[0] + jnp.sum(jnp.where(m, l, 0.0))

    @pl.when(b == _NBLK - 1)
    def _emit():
        sa_ref[...] = jnp.full((1, 1), acc_ref[0], jnp.float32)


def _sumpass(loss2d, bvec):
    return pl.pallas_call(
        _sumpass_body,
        grid=(_NBLK,),
        in_specs=[
            pl.BlockSpec((_BR, _C), lambda b: (b, 0)),
            pl.BlockSpec((1, 128), lambda b: (0, 0)),
        ],
        out_specs=pl.BlockSpec((1, 1), lambda b: (0, 0)),
        out_shape=jax.ShapeDtypeStruct((1, 1), jnp.float32),
        scratch_shapes=[pltpu.SMEM((1,), jnp.float32)],
    )(loss2d, bvec)


@functools.partial(
    pl.kernel,
    out_type=jax.ShapeDtypeStruct((_NW, _B2), jnp.int32),
    mesh=_MESH,
    compiler_params=pltpu.CompilerParams(needs_layout_passes=False),
    scratch_types=(
        pltpu.VMEM((_CH,), jnp.float32),
        pltpu.VMEM((_CH,), jnp.float32),
        pltpu.VMEM((_B2,), jnp.int32),
        pltpu.VMEM((16,), jnp.int32),
        pltpu.SemaphoreType.DMA,
        pltpu.SemaphoreType.DMA,
    ),
)
def _sc_hist2(loss_hbm, bvec_hbm, cnt_out, buf0, buf1, cnt_v, bv_v, sem0, sem1):
    wid = lax.axis_index("s") * 2 + lax.axis_index("c")
    base = wid * _E
    bufs = (buf0, buf1)
    sems = (sem0, sem1)

    pltpu.sync_copy(bvec_hbm, bv_v)
    bv = bv_v[...]

    zi = jnp.zeros((16,), jnp.int32)

    @plsc.parallel_loop(0, _B2 // 16, unroll=8)
    def _zero(i):
        cnt_v[pl.ds(i * 16, 16)] = zi

    ones = jnp.ones((16,), jnp.int32)
    descs = [pltpu.async_copy(loss_hbm.at[pl.ds(base, _CH)], buf0, sem0)]
    for k in range(_NCH):
        if k + 1 < _NCH:
            nb = (k + 1) % 2
            descs.append(
                pltpu.async_copy(
                    loss_hbm.at[pl.ds(base + (k + 1) * _CH, _CH)], bufs[nb], sems[nb]
                )
            )
        descs[k].wait()
        buf = bufs[k % 2]

        def _vbody(i, buf=buf):
            v = buf[pl.ds(i * 16, 16)]
            bits = plsc.bitcast(v, jnp.int32)
            m = (bits >> 16) == bv
            l = bits & 0xFFFF
            plsc.addupdate_scatter(cnt_v, [l], ones, mask=m)

        plsc.parallel_loop(0, _CH // 16, unroll=8)(_vbody)

    pltpu.sync_copy(cnt_v, cnt_out.at[wid])


def _glue2_body(cnt2_ref, bvec_ref, ca_ref, sa_ref, out_ref):
    c2 = jnp.sum(cnt2_ref[...], axis=0, keepdims=True)
    j = lax.broadcasted_iota(jnp.int32, (1, _B2), 1)
    bb = jnp.max(bvec_ref[...])
    ca = jnp.sum(ca_ref[...])
    sa = jnp.sum(sa_ref[...])

    def _bs(_, lohi):
        lo, hi = lohi
        mid = (lo + hi) // 2
        s = ca + jnp.sum(jnp.where(j >= mid, c2, 0))
        ok = s >= _K
        return jnp.where(ok, mid, lo), jnp.where(ok, hi, mid)

    jstar, _ = lax.fori_loop(0, 16, _bs, (jnp.int32(0), jnp.int32(_B2)))
    cgt = ca + jnp.sum(jnp.where(j > jstar, c2, 0))
    vk = lax.bitcast_convert_type((bb << 16) | jstar, jnp.float32)
    vals = lax.bitcast_convert_type((bb << 16) | j, jnp.float32)
    sgt = sa + jnp.sum(jnp.where(j > jstar, c2.astype(jnp.float32) * vals, 0.0))
    kf = jnp.float32(_K)
    res = (sgt + (kf - cgt.astype(jnp.float32)) * vk) / kf
    out_ref[...] = jnp.full((1, 1), res, jnp.float32)


def _glue2(cnt2, bvec, ca, sa):
    return pl.pallas_call(
        _glue2_body,
        out_shape=jax.ShapeDtypeStruct((1, 1), jnp.float32),
    )(cnt2, bvec, ca, sa)


def kernel(logits, targets):
    x = logits.reshape(_R, _C)
    t = targets.reshape(_R, _C)
    loss2d = _loss_tc(x, t)
    loss = loss2d.reshape(_N)
    cnt1 = _sc_hist1(loss)
    bvec, ca = _glue1(cnt1)
    cnt2 = _sc_hist2(loss, bvec[0, :16])
    sa = _sumpass(loss2d, bvec)
    return _glue2(cnt2, bvec, ca, sa)[0, 0]

# --- scband reference (transcript-rebuilt; emitter-appended) ---
"""Pipeline reference for scband-ohembcewith-logits-loss-59957743452460 (READ-ONLY COPY).

The authoritative reference and input builder live on the scoring server;
editing this copy changes nothing except your own understanding.
"""

import jax, jax.numpy as jnp
import numpy as np

OHEM_RATIO = 0.25
OHEM_MIN_KEPT = 100000


def _bce_with_logits(logits, targets):
    # numerically stable BCE with logits, reduction='none'
    return jnp.maximum(logits, 0.0) - logits * targets + jnp.log1p(jnp.exp(-jnp.abs(logits)))


def setup_inputs(seed: int = 0) -> dict:
    key = jax.random.key(seed)
    k1, k2 = jax.random.split(key)
    logits = jax.random.normal(k1, (16, 1, 512, 512), dtype=jnp.float32)
    targets = jax.random.uniform(k2, (16, 1, 512, 512), dtype=jnp.float32)
    return {"logits": logits, "targets": targets}


def reference(logits, targets):
    loss_per_pixel = _bce_with_logits(logits, targets)
    loss_flat = loss_per_pixel.reshape(-1)
    sorted_loss = jnp.sort(loss_flat)[::-1]  # descending
    num_pixels = loss_flat.shape[0]
    num_kept = max(int(num_pixels * OHEM_RATIO), OHEM_MIN_KEPT)
    num_kept = min(num_kept, num_pixels)
    kept_loss = sorted_loss[:num_kept]
    return jnp.mean(kept_loss)

if __name__ == "__main__":
    import jax
    _d = setup_inputs()
    print(jax.jit(kernel)(*tuple(_d.values())))

</pallas_src>

<mosaic_0001>
#map = affine_map<(d0, d1) -> (0)>
#map1 = affine_map<(d0, d1) -> (0, 0)>
module attributes {stable_mosaic.version = 14 : i64} {
  func.func @_sc_hist1(%arg0: i32, %arg1: i32, %arg2: memref<4194304xf32, #tpu.memory_space<hbm>>, %arg3: memref<32x32768xi32, #tpu.memory_space<hbm>>, %arg4: memref<16384xf32, #tpu.memory_space<vmem>>, %arg5: memref<16384xf32, #tpu.memory_space<vmem>>, %arg6: memref<32768xi32, #tpu.memory_space<vmem>>, %arg7: memref<!tpu.dma_semaphore, #tpu.memory_space<semaphore_mem>>, %arg8: memref<!tpu.dma_semaphore, #tpu.memory_space<semaphore_mem>>) attributes {dimension_semantics = [#tpu.dimension_semantics<core_parallel>, #tpu.dimension_semantics<subcore_parallel>], iteration_bounds = array<i64: 2, 16>, scalar_prefetch = 0 : i64, scratch_operands = 5 : i64, tpu.core_type = #tpu.core_type<sc_vector_subcore>, window_params = [{transform_indices = #map}, {transform_indices = #map1}]} {
    %mul3A = arith.constant 2 : i32
    %mul3A_0 = arith.muli %arg1, %mul3A : i32
    %add3A = arith.addi %mul3A_0, %arg0 : i32
    %mul3A_1 = arith.constant 131072 : i32
    %mul3A_2 = arith.muli %add3A, %mul3A_1 : i32
    %broadcast_in_dim3A = arith.constant 0 : i32
    %broadcast_in_dim3A_3 = vector.broadcast %broadcast_in_dim3A : i32 to vector<16xi32>
    %parallel_loop3A = arith.constant 0 : i32
    %parallel_loop3A_4 = arith.constant 2048 : i32
    %parallel_loop3A_5 = arith.constant 1 : i32
    scf.for %parallel_loop3A_76 = %parallel_loop3A to %parallel_loop3A_4 step %parallel_loop3A_5  : i32 {
      %parallel_loop3A_77 = arith.constant 16 : i32
      %parallel_loop3A_78 = arith.muli %parallel_loop3A_76, %parallel_loop3A_77 : i32
      %parallel_loop3A_79 = arith.index_cast %parallel_loop3A_78 : i32 to index
      %parallel_loop3A_80 = tpu.vector_load %arg6[%parallel_loop3A_79] {strides = array<i32>} : memref<32768xi32, #tpu.memory_space<vmem>>, vector<16xi32>,
      tpu.vector_store %arg6[%parallel_loop3A_79], %broadcast_in_dim3A_3 {strides = array<i32>} : memref<32768xi32, #tpu.memory_space<vmem>>, vector<16xi32>,
    } {sc.loop_unroll_factor = 8 : i64, sc.parallel_access}
    %broadcast_in_dim3A_6 = arith.constant 1 : i32
    %broadcast_in_dim3A_7 = vector.broadcast %broadcast_in_dim3A_6 : i32 to vector<16xi32>
    %dma_start3A = tpu.memref_slice %arg2[%mul3A_2] : memref<4194304xf32, #tpu.memory_space<hbm>> -> memref<16384xf32, #tpu.memory_space<hbm>>
    %dma_start3A_8 = tpu.memref_slice %arg2[%mul3A_2] : memref<4194304xf32, #tpu.memory_space<hbm>> -> memref<16384xf32, #tpu.memory_space<hbm>>
    tpu.enqueue_dma source(%dma_start3A_8 : memref<16384xf32, #tpu.memory_space<hbm>>) target(%arg4 : memref<16384xf32, #tpu.memory_space<vmem>>) target_semaphore(%arg7 : memref<!tpu.dma_semaphore, #tpu.memory_space<semaphore_mem>>)
    %add3A_9 = arith.constant 16384 : i32
    %add3A_10 = arith.addi %mul3A_2, %add3A_9 : i32
    %dma_start3A_11 = tpu.memref_slice %arg2[%add3A_10] : memref<4194304xf32, #tpu.memory_space<hbm>> -> memref<16384xf32, #tpu.memory_space<hbm>>
    %dma_start3A_12 = tpu.memref_slice %arg2[%add3A_10] : memref<4194304xf32, #tpu.memory_space<hbm>> -> memref<16384xf32, #tpu.memory_space<hbm>>
    tpu.enqueue_dma source(%dma_start3A_12 : memref<16384xf32, #tpu.memory_space<hbm>>) target(%arg5 : memref<16384xf32, #tpu.memory_space<vmem>>) target_semaphore(%arg8 : memref<!tpu.dma_semaphore, #tpu.memory_space<semaphore_mem>>)
    %dma_wait3A = tpu.memref_slice %arg2[%mul3A_2] : memref<4194304xf32, #tpu.memory_space<hbm>> -> memref<16384xf32, #tpu.memory_space<hbm>>
    %dma_wait3A_13 = tpu.memref_slice %arg2[%mul3A_2] : memref<4194304xf32, #tpu.memory_space<hbm>> -> memref<16384xf32, #tpu.memory_space<hbm>>
    tpu.wait_dma2 semaphore(%arg7 : memref<!tpu.dma_semaphore, #tpu.memory_space<semaphore_mem>>) src(%dma_wait3A_13 : memref<16384xf32, #tpu.memory_space<hbm>>) dst(%arg4 : memref<16384xf32, #tpu.memory_space<vmem>>)
    %parallel_loop3A_14 = arith.constant 0 : i32
    %parallel_loop3A_15 = arith.constant 1024 : i32
    %parallel_loop3A_16 = arith.constant 1 : i32
    scf.for %parallel_loop3A_76 = %parallel_loop3A_14 to %parallel_loop3A_15 step %parallel_loop3A_16  : i32 {
      %parallel_loop3A_77 = arith.constant 16 : i32
      %parallel_loop3A_78 = arith.muli %parallel_loop3A_76, %parallel_loop3A_77 : i32
      %parallel_loop3A_79 = arith.index_cast %parallel_loop3A_78 : i32 to index
      %parallel_loop3A_80 = tpu.vector_load %arg4[%parallel_loop3A_79] {strides = array<i32>} : memref<16384xf32, #tpu.memory_space<vmem>>, vector<16xf32>,
      %parallel_loop3A_81 = vector.bitcast %parallel_loop3A_80 : vector<16xf32> to vector<16xi32>
      %parallel_loop3A_82 = arith.constant 16 : i32
      %parallel_loop3A_83 = vector.broadcast %parallel_loop3A_82 : i32 to vector<16xi32>
      %parallel_loop3A_84 = arith.shrsi %parallel_loop3A_81, %parallel_loop3A_83 : vector<16xi32>
      tpu.vector_store_idx %arg6[%parallel_loop3A_84], %broadcast_in_dim3A_7 {add = true} : memref<32768xi32, #tpu.memory_space<vmem>>[vector<16xi32>], vector<16xi32>,
    } {sc.loop_unroll_factor = 8 : i64, sc.parallel_access}
    %add3A_17 = arith.constant 32768 : i32
    %add3A_18 = arith.addi %mul3A_2, %add3A_17 : i32
    %dma_start3A_19 = tpu.memref_slice %arg2[%add3A_18] : memref<4194304xf32, #tpu.memory_space<hbm>> -> memref<16384xf32, #tpu.memory_space<hbm>>
    %dma_start3A_20 = tpu.memref_slice %arg2[%add3A_18] : memref<4194304xf32, #tpu.memory_space<hbm>> -> memref<16384xf32, #tpu.memory_space<hbm>>
    tpu.enqueue_dma source(%dma_start3A_20 : memref<16384xf32, #tpu.memory_space<hbm>>) target(%arg4 : memref<16384xf32, #tpu.memory_space<vmem>>) target_semaphore(%arg7 : memref<!tpu.dma_semaphore, #tpu.memory_space<semaphore_mem>>)
    %dma_wait3A_21 = tpu.memref_slice %arg2[%add3A_10] : memref<4194304xf32, #tpu.memory_space<hbm>> -> memref<16384xf32, #tpu.memory_space<hbm>>
    %dma_wait3A_22 = tpu.memref_slice %arg2[%add3A_10] : memref<4194304xf32, #tpu.memory_space<hbm>> -> memref<16384xf32, #tpu.memory_space<hbm>>
    tpu.wait_dma2 semaphore(%arg8 : memref<!tpu.dma_semaphore, #tpu.memory_space<semaphore_mem>>) src(%dma_wait3A_22 : memref<16384xf32, #tpu.memory_space<hbm>>) dst(%arg5 : memref<16384xf32, #tpu.memory_space<vmem>>)
    %parallel_loop3A_23 = arith.constant 0 : i32
    %parallel_loop3A_24 = arith.constant 1024 : i32
    %parallel_loop3A_25 = arith.constant 1 : i32
    scf.for %parallel_loop3A_76 = %parallel_loop3A_23 to %parallel_loop3A_24 step %parallel_loop3A_25  : i32 {
      %parallel_loop3A_77 = arith.constant 16 : i32
      %parallel_loop3A_78 = arith.muli %parallel_loop3A_76, %parallel_loop3A_77 : i32
      %parallel_loop3A_79 = arith.index_cast %parallel_loop3A_78 : i32 to index
      %parallel_loop3A_80 = tpu.vector_load %arg5[%parallel_loop3A_79] {strides = array<i32>} : memref<16384xf32, #tpu.memory_space<vmem>>, vector<16xf32>,
      %parallel_loop3A_81 = vector.bitcast %parallel_loop3A_80 : vector<16xf32> to vector<16xi32>
      %parallel_loop3A_82 = arith.constant 16 : i32
      %parallel_loop3A_83 = vector.broadcast %parallel_loop3A_82 : i32 to vector<16xi32>
      %parallel_loop3A_84 = arith.shrsi %parallel_loop3A_81, %parallel_loop3A_83 : vector<16xi32>
      tpu.vector_store_idx %arg6[%parallel_loop3A_84], %broadcast_in_dim3A_7 {add = true} : memref<32768xi32, #tpu.memory_space<vmem>>[vector<16xi32>], vector<16xi32>,
    } {sc.loop_unroll_factor = 8 : i64, sc.parallel_access}
    %add3A_26 = arith.constant 49152 : i32
    %add3A_27 = arith.addi %mul3A_2, %add3A_26 : i32
    %dma_start3A_28 = tpu.memref_slice %arg2[%add3A_27] : memref<4194304xf32, #tpu.memory_space<hbm>> -> memref<16384xf32, #tpu.memory_space<hbm>>
    %dma_start3A_29 = tpu.memref_slice %arg2[%add3A_27] : memref<4194304xf32, #tpu.memory_space<hbm>> -> memref<16384xf32, #tpu.memory_space<hbm>>
    tpu.enqueue_dma source(%dma_start3A_29 : memref<16384xf32, #tpu.memory_space<hbm>>) target(%arg5 : memref<16384xf32, #tpu.memory_space<vmem>>) target_semaphore(%arg8 : memref<!tpu.dma_semaphore, #tpu.memory_space<semaphore_mem>>)
    %dma_wait3A_30 = tpu.memref_slice %arg2[%add3A_18] : memref<4194304xf32, #tpu.memory_space<hbm>> -> memref<16384xf32, #tpu.memory_space<hbm>>
    %dma_wait3A_31 = tpu.memref_slice %arg2[%add3A_18] : memref<4194304xf32, #tpu.memory_space<hbm>> -> memref<16384xf32, #tpu.memory_space<hbm>>
    tpu.wait_dma2 semaphore(%arg7 : memref<!tpu.dma_semaphore, #tpu.memory_space<semaphore_mem>>) src(%dma_wait3A_31 : memref<16384xf32, #tpu.memory_space<hbm>>) dst(%arg4 : memref<16384xf32, #tpu.memory_space<vmem>>)
    %parallel_loop3A_32 = arith.constant 0 : i32
    %parallel_loop3A_33 = arith.constant 1024 : i32
    %parallel_loop3A_34 = arith.constant 1 : i32
    scf.for %parallel_loop3A_76 = %parallel_loop3A_32 to %parallel_loop3A_33 step %parallel_loop3A_34  : i32 {
      %parallel_loop3A_77 = arith.constant 16 : i32
      %parallel_loop3A_78 = arith.muli %parallel_loop3A_76, %parallel_loop3A_77 : i32
      %parallel_loop3A_79 = arith.index_cast %parallel_loop3A_78 : i32 to index
      %parallel_loop3A_80 = tpu.vector_load %arg4[%parallel_loop3A_79] {strides = array<i32>} : memref<16384xf32, #tpu.memory_space<vmem>>, vector<16xf32>,
      %parallel_loop3A_81 = vector.bitcast %parallel_loop3A_80 : vector<16xf32> to vector<16xi32>
      %parallel_loop3A_82 = arith.constant 16 : i32
      %parallel_loop3A_83 = vector.broadcast %parallel_loop3A_82 : i32 to vector<16xi32>
      %parallel_loop3A_84 = arith.shrsi %parallel_loop3A_81, %parallel_loop3A_83 : vector<16xi32>
      tpu.vector_store_idx %arg6[%parallel_loop3A_84], %broadcast_in_dim3A_7 {add = true} : memref<32768xi32, #tpu.memory_space<vmem>>[vector<16xi32>], vector<16xi32>,
    } {sc.loop_unroll_factor = 8 : i64, sc.parallel_access}
    %add3A_35 = arith.constant 65536 : i32
    %add3A_36 = arith.addi %mul3A_2, %add3A_35 : i32
    %dma_start3A_37 = tpu.memref_slice %arg2[%add3A_36] : memref<4194304xf32, #tpu.memory_space<hbm>> -> memref<16384xf32, #tpu.memory_space<hbm>>
    %dma_start3A_38 = tpu.memref_slice %arg2[%add3A_36] : memref<4194304xf32, #tpu.memory_space<hbm>> -> memref<16384xf32, #tpu.memory_space<hbm>>
    tpu.enqueue_dma source(%dma_start3A_38 : memref<16384xf32, #tpu.memory_space<hbm>>) target(%arg4 : memref<16384xf32, #tpu.memory_space<vmem>>) target_semaphore(%arg7 : memref<!tpu.dma_semaphore, #tpu.memory_space<semaphore_mem>>)
    %dma_wait3A_39 = tpu.memref_slice %arg2[%add3A_27] : memref<4194304xf32, #tpu.memory_space<hbm>> -> memref<16384xf32, #tpu.memory_space<hbm>>
    %dma_wait3A_40 = tpu.memref_slice %arg2[%add3A_27] : memref<4194304xf32, #tpu.memory_space<hbm>> -> memref<16384xf32, #tpu.memory_space<hbm>>
    tpu.wait_dma2 semaphore(%arg8 : memref<!tpu.dma_semaphore, #tpu.memory_space<semaphore_mem>>) src(%dma_wait3A_40 : memref<16384xf32, #tpu.memory_space<hbm>>) dst(%arg5 : memref<16384xf32, #tpu.memory_space<vmem>>)
    %parallel_loop3A_41 = arith.constant 0 : i32
    %parallel_loop3A_42 = arith.constant 1024 : i32
    %parallel_loop3A_43 = arith.constant 1 : i32
    scf.for %parallel_loop3A_76 = %parallel_loop3A_41 to %parallel_loop3A_42 step %parallel_loop3A_43  : i32 {
      %parallel_loop3A_77 = arith.constant 16 : i32
      %parallel_loop3A_78 = arith.muli %parallel_loop3A_76, %parallel_loop3A_77 : i32
      %parallel_loop3A_79 = arith.index_cast %parallel_loop3A_78 : i32 to index
      %parallel_loop3A_80 = tpu.vector_load %arg5[%parallel_loop3A_79] {strides = array<i32>} : memref<16384xf32, #tpu.memory_space<vmem>>, vector<16xf32>,
      %parallel_loop3A_81 = vector.bitcast %parallel_loop3A_80 : vector<16xf32> to vector<16xi32>
      %parallel_loop3A_82 = arith.constant 16 : i32
      %parallel_loop3A_83 = vector.broadcast %parallel_loop3A_82 : i32 to vector<16xi32>
      %parallel_loop3A_84 = arith.shrsi %parallel_loop3A_81, %parallel_loop3A_83 : vector<16xi32>
      tpu.vector_store_idx %arg6[%parallel_loop3A_84], %broadcast_in_dim3A_7 {add = true} : memref<32768xi32, #tpu.memory_space<vmem>>[vector<16xi32>], vector<16xi32>,
    } {sc.loop_unroll_factor = 8 : i64, sc.parallel_access}
    %add3A_44 = arith.constant 81920 : i32
    %add3A_45 = arith.addi %mul3A_2, %add3A_44 : i32
    %dma_start3A_46 = tpu.memref_slice %arg2[%add3A_45] : memref<4194304xf32, #tpu.memory_space<hbm>> -> memref<16384xf32, #tpu.memory_space<hbm>>
    %dma_start3A_47 = tpu.memref_slice %arg2[%add3A_45] : memref<4194304xf32, #tpu.memory_space<hbm>> -> memref<16384xf32, #tpu.memory_space<hbm>>
    tpu.enqueue_dma source(%dma_start3A_47 : memref<16384xf32, #tpu.memory_space<hbm>>) target(%arg5 : memref<16384xf32, #tpu.memory_space<vmem>>) target_semaphore(%arg8 : memref<!tpu.dma_semaphore, #tpu.memory_space<semaphore_mem>>)
    %dma_wait3A_48 = tpu.memref_slice %arg2[%add3A_36] : memref<4194304xf32, #tpu.memory_space<hbm>> -> memref<16384xf32, #tpu.memory_space<hbm>>
    %dma_wait3A_49 = tpu.memref_slice %arg2[%add3A_36] : memref<4194304xf32, #tpu.memory_space<hbm>> -> memref<16384xf32, #tpu.memory_space<hbm>>
    tpu.wait_dma2 semaphore(%arg7 : memref<!tpu.dma_semaphore, #tpu.memory_space<semaphore_mem>>) src(%dma_wait3A_49 : memref<16384xf32, #tpu.memory_space<hbm>>) dst(%arg4 : memref<16384xf32, #tpu.memory_space<vmem>>)
    %parallel_loop3A_50 = arith.constant 0 : i32
    %parallel_loop3A_51 = arith.constant 1024 : i32
    %parallel_loop3A_52 = arith.constant 1 : i32
    scf.for %parallel_loop3A_76 = %parallel_loop3A_50 to %parallel_loop3A_51 step %parallel_loop3A_52  : i32 {
      %parallel_loop3A_77 = arith.constant 16 : i32
      %parallel_loop3A_78 = arith.muli %parallel_loop3A_76, %parallel_loop3A_77 : i32
      %parallel_loop3A_79 = arith.index_cast %parallel_loop3A_78 : i32 to index
      %parallel_loop3A_80 = tpu.vector_load %arg4[%parallel_loop3A_79] {strides = array<i32>} : memref<16384xf32, #tpu.memory_space<vmem>>, vector<16xf32>,
      %parallel_loop3A_81 = vector.bitcast %parallel_loop3A_80 : vector<16xf32> to vector<16xi32>
      %parallel_loop3A_82 = arith.constant 16 : i32
      %parallel_loop3A_83 = vector.broadcast %parallel_loop3A_82 : i32 to vector<16xi32>
      %parallel_loop3A_84 = arith.shrsi %parallel_loop3A_81, %parallel_loop3A_83 : vector<16xi32>
      tpu.vector_store_idx %arg6[%parallel_loop3A_84], %broadcast_in_dim3A_7 {add = true} : memref<32768xi32, #tpu.memory_space<vmem>>[vector<16xi32>], vector<16xi32>,
    } {sc.loop_unroll_factor = 8 : i64, sc.parallel_access}
    %add3A_53 = arith.constant 98304 : i32
    %add3A_54 = arith.addi %mul3A_2, %add3A_53 : i32
    %dma_start3A_55 = tpu.memref_slice %arg2[%add3A_54] : memref<4194304xf32, #tpu.memory_space<hbm>> -> memref<16384xf32, #tpu.memory_space<hbm>>
    %dma_start3A_56 = tpu.memref_slice %arg2[%add3A_54] : memref<4194304xf32, #tpu.memory_space<hbm>> -> memref<16384xf32, #tpu.memory_space<hbm>>
    tpu.enqueue_dma source(%dma_start3A_56 : memref<16384xf32, #tpu.memory_space<hbm>>) target(%arg4 : memref<16384xf32, #tpu.memory_space<vmem>>) target_semaphore(%arg7 : memref<!tpu.dma_semaphore, #tpu.memory_space<semaphore_mem>>)
    %dma_wait3A_57 = tpu.memref_slice %arg2[%add3A_45] : memref<4194304xf32, #tpu.memory_space<hbm>> -> memref<16384xf32, #tpu.memory_space<hbm>>
    %dma_wait3A_58 = tpu.memref_slice %arg2[%add3A_45] : memref<4194304xf32, #tpu.memory_space<hbm>> -> memref<16384xf32, #tpu.memory_space<hbm>>
    tpu.wait_dma2 semaphore(%arg8 : memref<!tpu.dma_semaphore, #tpu.memory_space<semaphore_mem>>) src(%dma_wait3A_58 : memref<16384xf32, #tpu.memory_space<hbm>>) dst(%arg5 : memref<16384xf32, #tpu.memory_space<vmem>>)
    %parallel_loop3A_59 = arith.constant 0 : i32
    %parallel_loop3A_60 = arith.constant 1024 : i32
    %parallel_loop3A_61 = arith.constant 1 : i32
    scf.for %parallel_loop3A_76 = %parallel_loop3A_59 to %parallel_loop3A_60 step %parallel_loop3A_61  : i32 {
      %parallel_loop3A_77 = arith.constant 16 : i32
      %parallel_loop3A_78 = arith.muli %parallel_loop3A_76, %parallel_loop3A_77 : i32
      %parallel_loop3A_79 = arith.index_cast %parallel_loop3A_78 : i32 to index
      %parallel_loop3A_80 = tpu.vector_load %arg5[%parallel_loop3A_79] {strides = array<i32>} : memref<16384xf32, #tpu.memory_space<vmem>>, vector<16xf32>,
      %parallel_loop3A_81 = vector.bitcast %parallel_loop3A_80 : vector<16xf32> to vector<16xi32>
      %parallel_loop3A_82 = arith.constant 16 : i32
      %parallel_loop3A_83 = vector.broadcast %parallel_loop3A_82 : i32 to vector<16xi32>
      %parallel_loop3A_84 = arith.shrsi %parallel_loop3A_81, %parallel_loop3A_83 : vector<16xi32>
      tpu.vector_store_idx %arg6[%parallel_loop3A_84], %broadcast_in_dim3A_7 {add = true} : memref<32768xi32, #tpu.memory_space<vmem>>[vector<16xi32>], vector<16xi32>,
    } {sc.loop_unroll_factor = 8 : i64, sc.parallel_access}
    %add3A_62 = arith.constant 114688 : i32
    %add3A_63 = arith.addi %mul3A_2, %add3A_62 : i32
    %dma_start3A_64 = tpu.memref_slice %arg2[%add3A_63] : memref<4194304xf32, #tpu.memory_space<hbm>> -> memref<16384xf32, #tpu.memory_space<hbm>>
    %dma_start3A_65 = tpu.memref_slice %arg2[%add3A_63] : memref<4194304xf32, #tpu.memory_space<hbm>> -> memref<16384xf32, #tpu.memory_space<hbm>>
    tpu.enqueue_dma source(%dma_start3A_65 : memref<16384xf32, #tpu.memory_space<hbm>>) target(%arg5 : memref<16384xf32, #tpu.memory_space<vmem>>) target_semaphore(%arg8 : memref<!tpu.dma_semaphore, #tpu.memory_space<semaphore_mem>>)
    %dma_wait3A_66 = tpu.memref_slice %arg2[%add3A_54] : memref<4194304xf32, #tpu.memory_space<hbm>> -> memref<16384xf32, #tpu.memory_space<hbm>>
    %dma_wait3A_67 = tpu.memref_slice %arg2[%add3A_54] : memref<4194304xf32, #tpu.memory_space<hbm>> -> memref<16384xf32, #tpu.memory_space<hbm>>
    tpu.wait_dma2 semaphore(%arg7 : memref<!tpu.dma_semaphore, #tpu.memory_space<semaphore_mem>>) src(%dma_wait3A_67 : memref<16384xf32, #tpu.memory_space<hbm>>) dst(%arg4 : memref<16384xf32, #tpu.memory_space<vmem>>)
    %parallel_loop3A_68 = arith.constant 0 : i32
    %parallel_loop3A_69 = arith.constant 1024 : i32
    %parallel_loop3A_70 = arith.constant 1 : i32
    scf.for %parallel_loop3A_76 = %parallel_loop3A_68 to %parallel_loop3A_69 step %parallel_loop3A_70  : i32 {
      %parallel_loop3A_77 = arith.constant 16 : i32
      %parallel_loop3A_78 = arith.muli %parallel_loop3A_76, %parallel_loop3A_77 : i32
      %parallel_loop3A_79 = arith.index_cast %parallel_loop3A_78 : i32 to index
      %parallel_loop3A_80 = tpu.vector_load %arg4[%parallel_loop3A_79] {strides = array<i32>} : memref<16384xf32, #tpu.memory_space<vmem>>, vector<16xf32>,
      %parallel_loop3A_81 = vector.bitcast %parallel_loop3A_80 : vector<16xf32> to vector<16xi32>
      %parallel_loop3A_82 = arith.constant 16 : i32
      %parallel_loop3A_83 = vector.broadcast %parallel_loop3A_82 : i32 to vector<16xi32>
      %parallel_loop3A_84 = arith.shrsi %parallel_loop3A_81, %parallel_loop3A_83 : vector<16xi32>
      tpu.vector_store_idx %arg6[%parallel_loop3A_84], %broadcast_in_dim3A_7 {add = true} : memref<32768xi32, #tpu.memory_space<vmem>>[vector<16xi32>], vector<16xi32>,
    } {sc.loop_unroll_factor = 8 : i64, sc.parallel_access}
    %dma_wait3A_71 = tpu.memref_slice %arg2[%add3A_63] : memref<4194304xf32, #tpu.memory_space<hbm>> -> memref<16384xf32, #tpu.memory_space<hbm>>
    %dma_wait3A_72 = tpu.memref_slice %arg2[%add3A_63] : memref<4194304xf32, #tpu.memory_space<hbm>> -> memref<16384xf32, #tpu.memory_space<hbm>>
    tpu.wait_dma2 semaphore(%arg8 : memref<!tpu.dma_semaphore, #tpu.memory_space<semaphore_mem>>) src(%dma_wait3A_72 : memref<16384xf32, #tpu.memory_space<hbm>>) dst(%arg5 : memref<16384xf32, #tpu.memory_space<vmem>>)
    %parallel_loop3A_73 = arith.constant 0 : i32
    %parallel_loop3A_74 = arith.constant 1024 : i32
    %parallel_loop3A_75 = arith.constant 1 : i32
    scf.for %parallel_loop3A_76 = %parallel_loop3A_73 to %parallel_loop3A_74 step %parallel_loop3A_75  : i32 {
      %parallel_loop3A_77 = arith.constant 16 : i32
      %parallel_loop3A_78 = arith.muli %parallel_loop3A_76, %parallel_loop3A_77 : i32
      %parallel_loop3A_79 = arith.index_cast %parallel_loop3A_78 : i32 to index
      %parallel_loop3A_80 = tpu.vector_load %arg5[%parallel_loop3A_79] {strides = array<i32>} : memref<16384xf32, #tpu.memory_space<vmem>>, vector<16xf32>,
      %parallel_loop3A_81 = vector.bitcast %parallel_loop3A_80 : vector<16xf32> to vector<16xi32>
      %parallel_loop3A_82 = arith.constant 16 : i32
      %parallel_loop3A_83 = vector.broadcast %parallel_loop3A_82 : i32 to vector<16xi32>
      %parallel_loop3A_84 = arith.shrsi %parallel_loop3A_81, %parallel_loop3A_83 : vector<16xi32>
      tpu.vector_store_idx %arg6[%parallel_loop3A_84], %broadcast_in_dim3A_7 {add = true} : memref<32768xi32, #tpu.memory_space<vmem>>[vector<16xi32>], vector<16xi32>,
    } {sc.loop_unroll_factor = 8 : i64, sc.parallel_access}
    "tpu.region"() ({
      %run_scoped3A = tpu.sem_alloc : memref<!tpu.dma_semaphore, #tpu.memory_space<semaphore_mem>>
      %dma_start3A_76 = arith.constant 0 : i32
      %dma_start3A_77 = tpu.memref_slice %arg3[%add3A, %dma_start3A_76] : memref<32x32768xi32, #tpu.memory_space<hbm>> -> memref<1x32768xi32, #tpu.memory_space<hbm>>
      %dma_start3A_78 = tpu.memref_squeeze %dma_start3A_77 : memref<1x32768xi32, #tpu.memory_space<hbm>> -> memref<32768xi32, #tpu.memory_space<hbm>>
      %dma_start3A_79 = arith.constant 0 : i32
      %dma_start3A_80 = tpu.memref_slice %arg3[%add3A, %dma_start3A_79] : memref<32x32768xi32, #tpu.memory_space<hbm>> -> memref<1x32768xi32, #tpu.memory_space<hbm>>
      %dma_start3A_81 = tpu.memref_squeeze %dma_start3A_80 : memref<1x32768xi32, #tpu.memory_space<hbm>> -> memref<32768xi32, #tpu.memory_space<hbm>>
      tpu.enqueue_dma source(%arg6 : memref<32768xi32, #tpu.memory_space<vmem>>) target(%dma_start3A_81 : memref<32768xi32, #tpu.memory_space<hbm>>) target_semaphore(%run_scoped3A : memref<!tpu.dma_semaphore, #tpu.memory_space<semaphore_mem>>)
      %dma_wait3A_82 = arith.constant 0 : i32
      %dma_wait3A_83 = tpu.memref_slice %arg3[%add3A, %dma_wait3A_82] : memref<32x32768xi32, #tpu.memory_space<hbm>> -> memref<1x32768xi32, #tpu.memory_space<hbm>>
      %dma_wait3A_84 = tpu.memref_squeeze %dma_wait3A_83 : memref<1x32768xi32, #tpu.memory_space<hbm>> -> memref<32768xi32, #tpu.memory_space<hbm>>
      %dma_wait3A_85 = arith.constant 0 : i32
      %dma_wait3A_86 = tpu.memref_slice %arg3[%add3A, %dma_wait3A_85] : memref<32x32768xi32, #tpu.memory_space<hbm>> -> memref<1x32768xi32, #tpu.memory_space<hbm>>
      %dma_wait3A_87 = tpu.memref_squeeze %dma_wait3A_86 : memref<1x32768xi32, #tpu.memory_space<hbm>> -> memref<32768xi32, #tpu.memory_space<hbm>>
      tpu.wait_dma2 semaphore(%run_scoped3A : memref<!tpu.dma_semaphore, #tpu.memory_space<semaphore_mem>>) src(%arg6 : memref<32768xi32, #tpu.memory_space<vmem>>) dst(%dma_wait3A_87 : memref<32768xi32, #tpu.memory_space<hbm>>)
      tpu.yield
    }) : () -> ()
    return
  }
}

#map = affine_map<(d0, d1) -> (0)>
#map1 = affine_map<(d0, d1) -> (0, 0)>
module attributes {stable_mosaic.version = 14 : i64} {
  func.func @_sc_hist2(%arg0: i32, %arg1: i32, %arg2: memref<4194304xf32, #tpu.memory_space<hbm>>, %arg3: memref<16xi32, #tpu.memory_space<hbm>>, %arg4: memref<32x65536xi32, #tpu.memory_space<hbm>>, %arg5: memref<16384xf32, #tpu.memory_space<vmem>>, %arg6: memref<16384xf32, #tpu.memory_space<vmem>>, %arg7: memref<65536xi32, #tpu.memory_space<vmem>>, %arg8: memref<16xi32, #tpu.memory_space<vmem>>, %arg9: memref<!tpu.dma_semaphore, #tpu.memory_space<semaphore_mem>>, %arg10: memref<!tpu.dma_semaphore, #tpu.memory_space<semaphore_mem>>) attributes {dimension_semantics = [#tpu.dimension_semantics<core_parallel>, #tpu.dimension_semantics<subcore_parallel>], iteration_bounds = array<i64: 2, 16>, scalar_prefetch = 0 : i64, scratch_operands = 6 : i64, tpu.core_type = #tpu.core_type<sc_vector_subcore>, window_params = [{transform_indices = #map}, {transform_indices = #map}, {transform_indices = #map1}]} {
    %mul3A = arith.constant 2 : i32
    %mul3A_0 = arith.muli %arg1, %mul3A : i32
    %add3A = arith.addi %mul3A_0, %arg0 : i32
    %mul3A_1 = arith.constant 131072 : i32
    %mul3A_2 = arith.muli %add3A, %mul3A_1 : i32
    "tpu.region"() ({
      %run_scoped3A = tpu.sem_alloc : memref<!tpu.dma_semaphore, #tpu.memory_space<semaphore_mem>>
      tpu.enqueue_dma source(%arg3 : memref<16xi32, #tpu.memory_space<hbm>>) target(%arg8 : memref<16xi32, #tpu.memory_space<vmem>>) target_semaphore(%run_scoped3A : memref<!tpu.dma_semaphore, #tpu.memory_space<semaphore_mem>>)
      tpu.wait_dma2 semaphore(%run_scoped3A : memref<!tpu.dma_semaphore, #tpu.memory_space<semaphore_mem>>) src(%arg3 : memref<16xi32, #tpu.memory_space<hbm>>) dst(%arg8 : memref<16xi32, #tpu.memory_space<vmem>>)
      tpu.yield
    }) : () -> ()
    %get3A = arith.constant 0 : index
    %get3A_3 = tpu.vector_load %arg8[%get3A] {strides = array<i32>} : memref<16xi32, #tpu.memory_space<vmem>>, vector<16xi32>,
    %broadcast_in_dim3A = arith.constant 0 : i32
    %broadcast_in_dim3A_4 = vector.broadcast %broadcast_in_dim3A : i32 to vector<16xi32>
    %parallel_loop3A = arith.constant 0 : i32
    %parallel_loop3A_5 = arith.constant 4096 : i32
    %parallel_loop3A_6 = arith.constant 1 : i32
    scf.for %parallel_loop3A_77 = %parallel_loop3A to %parallel_loop3A_5 step %parallel_loop3A_6  : i32 {
      %parallel_loop3A_78 = arith.constant 16 : i32
      %parallel_loop3A_79 = arith.muli %parallel_loop3A_77, %parallel_loop3A_78 : i32
      %parallel_loop3A_80 = arith.index_cast %parallel_loop3A_79 : i32 to index
      %parallel_loop3A_81 = tpu.vector_load %arg7[%parallel_loop3A_80] {strides = array<i32>} : memref<65536xi32, #tpu.memory_space<vmem>>, vector<16xi32>,
      tpu.vector_store %arg7[%parallel_loop3A_80], %broadcast_in_dim3A_4 {strides = array<i32>} : memref<65536xi32, #tpu.memory_space<vmem>>, vector<16xi32>,
    } {sc.loop_unroll_factor = 8 : i64, sc.parallel_access}
    %broadcast_in_dim3A_7 = arith.constant 1 : i32
    %broadcast_in_dim3A_8 = vector.broadcast %broadcast_in_dim3A_7 : i32 to vector<16xi32>
    %dma_start3A = tpu.memref_slice %arg2[%mul3A_2] : memref<4194304xf32, #tpu.memory_space<hbm>> -> memref<16384xf32, #tpu.memory_space<hbm>>
    %dma_start3A_9 = tpu.memref_slice %arg2[%mul3A_2] : memref<4194304xf32, #tpu.memory_space<hbm>> -> memref<16384xf32, #tpu.memory_space<hbm>>
    tpu.enqueue_dma source(%dma_start3A_9 : memref<16384xf32, #tpu.memory_space<hbm>>) target(%arg5 : memref<16384xf32, #tpu.memory_space<vmem>>) target_semaphore(%arg9 : memref<!tpu.dma_semaphore, #tpu.memory_space<semaphore_mem>>)
    %add3A_10 = arith.constant 16384 : i32
    %add3A_11 = arith.addi %mul3A_2, %add3A_10 : i32
    %dma_start3A_12 = tpu.memref_slice %arg2[%add3A_11] : memref<4194304xf32, #tpu.memory_space<hbm>> -> memref<16384xf32, #tpu.memory_space<hbm>>
    %dma_start3A_13 = tpu.memref_slice %arg2[%add3A_11] : memref<4194304xf32, #tpu.memory_space<hbm>> -> memref<16384xf32, #tpu.memory_space<hbm>>
    tpu.enqueue_dma source(%dma_start3A_13 : memref<16384xf32, #tpu.memory_space<hbm>>) target(%arg6 : memref<16384xf32, #tpu.memory_space<vmem>>) target_semaphore(%arg10 : memref<!tpu.dma_semaphore, #tpu.memory_space<semaphore_mem>>)
    %dma_wait3A = tpu.memref_slice %arg2[%mul3A_2] : memref<4194304xf32, #tpu.memory_space<hbm>> -> memref<16384xf32, #tpu.memory_space<hbm>>
    %dma_wait3A_14 = tpu.memref_slice %arg2[%mul3A_2] : memref<4194304xf32, #tpu.memory_space<hbm>> -> memref<16384xf32, #tpu.memory_space<hbm>>
    tpu.wait_dma2 semaphore(%arg9 : memref<!tpu.dma_semaphore, #tpu.memory_space<semaphore_mem>>) src(%dma_wait3A_14 : memref<16384xf32, #tpu.memory_space<hbm>>) dst(%arg5 : memref<16384xf32, #tpu.memory_space<vmem>>)
    %parallel_loop3A_15 = arith.constant 0 : i32
    %parallel_loop3A_16 = arith.constant 1024 : i32
    %parallel_loop3A_17 = arith.constant 1 : i32
    scf.for %parallel_loop3A_77 = %parallel_loop3A_15 to %parallel_loop3A_16 step %parallel_loop3A_17  : i32 {
      %parallel_loop3A_78 = arith.constant 16 : i32
      %parallel_loop3A_79 = arith.muli %parallel_loop3A_77, %parallel_loop3A_78 : i32
      %parallel_loop3A_80 = arith.index_cast %parallel_loop3A_79 : i32 to index
      %parallel_loop3A_81 = tpu.vector_load %arg5[%parallel_loop3A_80] {strides = array<i32>} : memref<16384xf32, #tpu.memory_space<vmem>>, vector<16xf32>,
      %parallel_loop3A_82 = vector.bitcast %parallel_loop3A_81 : vector<16xf32> to vector<16xi32>
      %parallel_loop3A_83 = arith.constant 16 : i32
      %parallel_loop3A_84 = vector.broadcast %parallel_loop3A_83 : i32 to vector<16xi32>
      %parallel_loop3A_85 = arith.shrsi %parallel_loop3A_82, %parallel_loop3A_84 : vector<16xi32>
      %parallel_loop3A_86 = arith.cmpi eq, %parallel_loop3A_85, %get3A_3 : vector<16xi32>
      %parallel_loop3A_87 = arith.constant 65535 : i32
      %parallel_loop3A_88 = vector.broadcast %parallel_loop3A_87 : i32 to vector<16xi32>
      %parallel_loop3A_89 = arith.andi %parallel_loop3A_82, %parallel_loop3A_88 : vector<16xi32>
      tpu.vector_store_idx %arg7[%parallel_loop3A_89], %broadcast_in_dim3A_8 masked %parallel_loop3A_86 {add = true} : memref<65536xi32, #tpu.memory_space<vmem>>[vector<16xi32>], vector<16xi32>, vector<16xi1>
    } {sc.loop_unroll_factor = 8 : i64, sc.parallel_access}
    %add3A_18 = arith.constant 32768 : i32
    %add3A_19 = arith.addi %mul3A_2, %add3A_18 : i32
    %dma_start3A_20 = tpu.memref_slice %arg2[%add3A_19] : memref<4194304xf32, #tpu.memory_space<hbm>> -> memref<16384xf32, #tpu.memory_space<hbm>>
    %dma_start3A_21 = tpu.memref_slice %arg2[%add3A_19] : memref<4194304xf32, #tpu.memory_space<hbm>> -> memref<16384xf32, #tpu.memory_space<hbm>>
    tpu.enqueue_dma source(%dma_start3A_21 : memref<16384xf32, #tpu.memory_space<hbm>>) target(%arg5 : memref<16384xf32, #tpu.memory_space<vmem>>) target_semaphore(%arg9 : memref<!tpu.dma_semaphore, #tpu.memory_space<semaphore_mem>>)
    %dma_wait3A_22 = tpu.memref_slice %arg2[%add3A_11] : memref<4194304xf32, #tpu.memory_space<hbm>> -> memref<16384xf32, #tpu.memory_space<hbm>>
    %dma_wait3A_23 = tpu.memref_slice %arg2[%add3A_11] : memref<4194304xf32, #tpu.memory_space<hbm>> -> memref<16384xf32, #tpu.memory_space<hbm>>
    tpu.wait_dma2 semaphore(%arg10 : memref<!tpu.dma_semaphore, #tpu.memory_space<semaphore_mem>>) src(%dma_wait3A_23 : memref<16384xf32, #tpu.memory_space<hbm>>) dst(%arg6 : memref<16384xf32, #tpu.memory_space<vmem>>)
    %parallel_loop3A_24 = arith.constant 0 : i32
    %parallel_loop3A_25 = arith.constant 1024 : i32
    %parallel_loop3A_26 = arith.constant 1 : i32
    scf.for %parallel_loop3A_77 = %parallel_loop3A_24 to %parallel_loop3A_25 step %parallel_loop3A_26  : i32 {
      %parallel_loop3A_78 = arith.constant 16 : i32
      %parallel_loop3A_79 = arith.muli %parallel_loop3A_77, %parallel_loop3A_78 : i32
      %parallel_loop3A_80 = arith.index_cast %parallel_loop3A_79 : i32 to index
      %parallel_loop3A_81 = tpu.vector_load %arg6[%parallel_loop3A_80] {strides = array<i32>} : memref<16384xf32, #tpu.memory_space<vmem>>, vector<16xf32>,
      %parallel_loop3A_82 = vector.bitcast %parallel_loop3A_81 : vector<16xf32> to vector<16xi32>
      %parallel_loop3A_83 = arith.constant 16 : i32
      %parallel_loop3A_84 = vector.broadcast %parallel_loop3A_83 : i32 to vector<16xi32>
      %parallel_loop3A_85 = arith.shrsi %parallel_loop3A_82, %parallel_loop3A_84 : vector<16xi32>
      %parallel_loop3A_86 = arith.cmpi eq, %parallel_loop3A_85, %get3A_3 : vector<16xi32>
      %parallel_loop3A_87 = arith.constant 65535 : i32
      %parallel_loop3A_88 = vector.broadcast %parallel_loop3A_87 : i32 to vector<16xi32>
      %parallel_loop3A_89 = arith.andi %parallel_loop3A_82, %parallel_loop3A_88 : vector<16xi32>
      tpu.vector_store_idx %arg7[%parallel_loop3A_89], %broadcast_in_dim3A_8 masked %parallel_loop3A_86 {add = true} : memref<65536xi32, #tpu.memory_space<vmem>>[vector<16xi32>], vector<16xi32>, vector<16xi1>
    } {sc.loop_unroll_factor = 8 : i64, sc.parallel_access}
    %add3A_27 = arith.constant 49152 : i32
    %add3A_28 = arith.addi %mul3A_2, %add3A_27 : i32
    %dma_start3A_29 = tpu.memref_slice %arg2[%add3A_28] : memref<4194304xf32, #tpu.memory_space<hbm>> -> memref<16384xf32, #tpu.memory_space<hbm>>
    %dma_start3A_30 = tpu.memref_slice %arg2[%add3A_28] : memref<4194304xf32, #tpu.memory_space<hbm>> -> memref<16384xf32, #tpu.memory_space<hbm>>
    tpu.enqueue_dma source(%dma_start3A_30 : memref<16384xf32, #tpu.memory_space<hbm>>) target(%arg6 : memref<16384xf32, #tpu.memory_space<vmem>>) target_semaphore(%arg10 : memref<!tpu.dma_semaphore, #tpu.memory_space<semaphore_mem>>)
    %dma_wait3A_31 = tpu.memref_slice %arg2[%add3A_19] : memref<4194304xf32, #tpu.memory_space<hbm>> -> memref<16384xf32, #tpu.memory_space<hbm>>
    %dma_wait3A_32 = tpu.memref_slice %arg2[%add3A_19] : memref<4194304xf32, #tpu.memory_space<hbm>> -> memref<16384xf32, #tpu.memory_space<hbm>>
    tpu.wait_dma2 semaphore(%arg9 : memref<!tpu.dma_semaphore, #tpu.memory_space<semaphore_mem>>) src(%dma_wait3A_32 : memref<16384xf32, #tpu.memory_space<hbm>>) dst(%arg5 : memref<16384xf32, #tpu.memory_space<vmem>>)
    %parallel_loop3A_33 = arith.constant 0 : i32
    %parallel_loop3A_34 = arith.constant 1024 : i32
    %parallel_loop3A_35 = arith.constant 1 : i32
    scf.for %parallel_loop3A_77 = %parallel_loop3A_33 to %parallel_loop3A_34 step %parallel_loop3A_35  : i32 {
      %parallel_loop3A_78 = arith.constant 16 : i32
      %parallel_loop3A_79 = arith.muli %parallel_loop3A_77, %parallel_loop3A_78 : i32
      %parallel_loop3A_80 = arith.index_cast %parallel_loop3A_79 : i32 to index
      %parallel_loop3A_81 = tpu.vector_load %arg5[%parallel_loop3A_80] {strides = array<i32>} : memref<16384xf32, #tpu.memory_space<vmem>>, vector<16xf32>,
      %parallel_loop3A_82 = vector.bitcast %parallel_loop3A_81 : vector<16xf32> to vector<16xi32>
      %parallel_loop3A_83 = arith.constant 16 : i32
      %parallel_loop3A_84 = vector.broadcast %parallel_loop3A_83 : i32 to vector<16xi32>
      %parallel_loop3A_85 = arith.shrsi %parallel_loop3A_82, %parallel_loop3A_84 : vector<16xi32>
      %parallel_loop3A_86 = arith.cmpi eq, %parallel_loop3A_85, %get3A_3 : vector<16xi32>
      %parallel_loop3A_87 = arith.constant 65535 : i32
      %parallel_loop3A_88 = vector.broadcast %parallel_loop3A_87 : i32 to vector<16xi32>
      %parallel_loop3A_89 = arith.andi %parallel_loop3A_82, %parallel_loop3A_88 : vector<16xi32>
      tpu.vector_store_idx %arg7[%parallel_loop3A_89], %broadcast_in_dim3A_8 masked %parallel_loop3A_86 {add = true} : memref<65536xi32, #tpu.memory_space<vmem>>[vector<16xi32>], vector<16xi32>, vector<16xi1>
    } {sc.loop_unroll_factor = 8 : i64, sc.parallel_access}
    %add3A_36 = arith.constant 65536 : i32
    %add3A_37 = arith.addi %mul3A_2, %add3A_36 : i32
    %dma_start3A_38 = tpu.memref_slice %arg2[%add3A_37] : memref<4194304xf32, #tpu.memory_space<hbm>> -> memref<16384xf32, #tpu.memory_space<hbm>>
    %dma_start3A_39 = tpu.memref_slice %arg2[%add3A_37] : memref<4194304xf32, #tpu.memory_space<hbm>> -> memref<16384xf32, #tpu.memory_space<hbm>>
    tpu.enqueue_dma source(%dma_start3A_39 : memref<16384xf32, #tpu.memory_space<hbm>>) target(%arg5 : memref<16384xf32, #tpu.memory_space<vmem>>) target_semaphore(%arg9 : memref<!tpu.dma_semaphore, #tpu.memory_space<semaphore_mem>>)
    %dma_wait3A_40 = tpu.memref_slice %arg2[%add3A_28] : memref<4194304xf32, #tpu.memory_space<hbm>> -> memref<16384xf32, #tpu.memory_space<hbm>>
    %dma_wait3A_41 = tpu.memref_slice %arg2[%add3A_28] : memref<4194304xf32, #tpu.memory_space<hbm>> -> memref<16384xf32, #tpu.memory_space<hbm>>
    tpu.wait_dma2 semaphore(%arg10 : memref<!tpu.dma_semaphore, #tpu.memory_space<semaphore_mem>>) src(%dma_wait3A_41 : memref<16384xf32, #tpu.memory_space<hbm>>) dst(%arg6 : memref<16384xf32, #tpu.memory_space<vmem>>)
    %parallel_loop3A_42 = arith.constant 0 : i32
    %parallel_loop3A_43 = arith.constant 1024 : i32
    %parallel_loop3A_44 = arith.constant 1 : i32
    scf.for %parallel_loop3A_77 = %parallel_loop3A_42 to %parallel_loop3A_43 step %parallel_loop3A_44  : i32 {
      %parallel_loop3A_78 = arith.constant 16 : i32
      %parallel_loop3A_79 = arith.muli %parallel_loop3A_77, %parallel_loop3A_78 : i32
      %parallel_loop3A_80 = arith.index_cast %parallel_loop3A_79 : i32 to index
      %parallel_loop3A_81 = tpu.vector_load %arg6[%parallel_loop3A_80] {strides = array<i32>} : memref<16384xf32, #tpu.memory_space<vmem>>, vector<16xf32>,
      %parallel_loop3A_82 = vector.bitcast %parallel_loop3A_81 : vector<16xf32> to vector<16xi32>
      %parallel_loop3A_83 = arith.constant 16 : i32
      %parallel_loop3A_84 = vector.broadcast %parallel_loop3A_83 : i32 to vector<16xi32>
      %parallel_loop3A_85 = arith.shrsi %parallel_loop3A_82, %parallel_loop3A_84 : vector<16xi32>
      %parallel_loop3A_86 = arith.cmpi eq, %parallel_loop3A_85, %get3A_3 : vector<16xi32>
      %parallel_loop3A_87 = arith.constant 65535 : i32
      %parallel_loop3A_88 = vector.broadcast %parallel_loop3A_87 : i32 to vector<16xi32>
      %parallel_loop3A_89 = arith.andi %parallel_loop3A_82, %parallel_loop3A_88 : vector<16xi32>
      tpu.vector_store_idx %arg7[%parallel_loop3A_89], %broadcast_in_dim3A_8 masked %parallel_loop3A_86 {add = true} : memref<65536xi32, #tpu.memory_space<vmem>>[vector<16xi32>], vector<16xi32>, vector<16xi1>
    } {sc.loop_unroll_factor = 8 : i64, sc.parallel_access}
    %add3A_45 = arith.constant 81920 : i32
    %add3A_46 = arith.addi %mul3A_2, %add3A_45 : i32
    %dma_start3A_47 = tpu.memref_slice %arg2[%add3A_46] : memref<4194304xf32, #tpu.memory_space<hbm>> -> memref<16384xf32, #tpu.memory_space<hbm>>
    %dma_start3A_48 = tpu.memref_slice %arg2[%add3A_46] : memref<4194304xf32, #tpu.memory_space<hbm>> -> memref<16384xf32, #tpu.memory_space<hbm>>
    tpu.enqueue_dma source(%dma_start3A_48 : memref<16384xf32, #tpu.memory_space<hbm>>) target(%arg6 : memref<16384xf32, #tpu.memory_space<vmem>>) target_semaphore(%arg10 : memref<!tpu.dma_semaphore, #tpu.memory_space<semaphore_mem>>)
    %dma_wait3A_49 = tpu.memref_slice %arg2[%add3A_37] : memref<4194304xf32, #tpu.memory_space<hbm>> -> memref<16384xf32, #tpu.memory_space<hbm>>
    %dma_wait3A_50 = tpu.memref_slice %arg2[%add3A_37] : memref<4194304xf32, #tpu.memory_space<hbm>> -> memref<16384xf32, #tpu.memory_space<hbm>>
    tpu.wait_dma2 semaphore(%arg9 : memref<!tpu.dma_semaphore, #tpu.memory_space<semaphore_mem>>) src(%dma_wait3A_50 : memref<16384xf32, #tpu.memory_space<hbm>>) dst(%arg5 : memref<16384xf32, #tpu.memory_space<vmem>>)
    %parallel_loop3A_51 = arith.constant 0 : i32
    %parallel_loop3A_52 = arith.constant 1024 : i32
    %parallel_loop3A_53 = arith.constant 1 : i32
    scf.for %parallel_loop3A_77 = %parallel_loop3A_51 to %parallel_loop3A_52 step %parallel_loop3A_53  : i32 {
      %parallel_loop3A_78 = arith.constant 16 : i32
      %parallel_loop3A_79 = arith.muli %parallel_loop3A_77, %parallel_loop3A_78 : i32
      %parallel_loop3A_80 = arith.index_cast %parallel_loop3A_79 : i32 to index
      %parallel_loop3A_81 = tpu.vector_load %arg5[%parallel_loop3A_80] {strides = array<i32>} : memref<16384xf32, #tpu.memory_space<vmem>>, vector<16xf32>,
      %parallel_loop3A_82 = vector.bitcast %parallel_loop3A_81 : vector<16xf32> to vector<16xi32>
      %parallel_loop3A_83 = arith.constant 16 : i32
      %parallel_loop3A_84 = vector.broadcast %parallel_loop3A_83 : i32 to vector<16xi32>
      %parallel_loop3A_85 = arith.shrsi %parallel_loop3A_82, %parallel_loop3A_84 : vector<16xi32>
      %parallel_loop3A_86 = arith.cmpi eq, %parallel_loop3A_85, %get3A_3 : vector<16xi32>
      %parallel_loop3A_87 = arith.constant 65535 : i32
      %parallel_loop3A_88 = vector.broadcast %parallel_loop3A_87 : i32 to vector<16xi32>
      %parallel_loop3A_89 = arith.andi %parallel_loop3A_82, %parallel_loop3A_88 : vector<16xi32>
      tpu.vector_store_idx %arg7[%parallel_loop3A_89], %broadcast_in_dim3A_8 masked %parallel_loop3A_86 {add = true} : memref<65536xi32, #tpu.memory_space<vmem>>[vector<16xi32>], vector<16xi32>, vector<16xi1>
    } {sc.loop_unroll_factor = 8 : i64, sc.parallel_access}
    %add3A_54 = arith.constant 98304 : i32
    %add3A_55 = arith.addi %mul3A_2, %add3A_54 : i32
    %dma_start3A_56 = tpu.memref_slice %arg2[%add3A_55] : memref<4194304xf32, #tpu.memory_space<hbm>> -> memref<16384xf32, #tpu.memory_space<hbm>>
    %dma_start3A_57 = tpu.memref_slice %arg2[%add3A_55] : memref<4194304xf32, #tpu.memory_space<hbm>> -> memref<16384xf32, #tpu.memory_space<hbm>>
    tpu.enqueue_dma source(%dma_start3A_57 : memref<16384xf32, #tpu.memory_space<hbm>>) target(%arg5 : memref<16384xf32, #tpu.memory_space<vmem>>) target_semaphore(%arg9 : memref<!tpu.dma_semaphore, #tpu.memory_space<semaphore_mem>>)
    %dma_wait3A_58 = tpu.memref_slice %arg2[%add3A_46] : memref<4194304xf32, #tpu.memory_space<hbm>> -> memref<16384xf32, #tpu.memory_space<hbm>>
    %dma_wait3A_59 = tpu.memref_slice %arg2[%add3A_46] : memref<4194304xf32, #tpu.memory_space<hbm>> -> memref<16384xf32, #tpu.memory_space<hbm>>
    tpu.wait_dma2 semaphore(%arg10 : memref<!tpu.dma_semaphore, #tpu.memory_space<semaphore_mem>>) src(%dma_wait3A_59 : memref<16384xf32, #tpu.memory_space<hbm>>) dst(%arg6 : memref<16384xf32, #tpu.memory_space<vmem>>)
    %parallel_loop3A_60 = arith.constant 0 : i32
    %parallel_loop3A_61 = arith.constant 1024 : i32
    %parallel_loop3A_62 = arith.constant 1 : i32
    scf.for %parallel_loop3A_77 = %parallel_loop3A_60 to %parallel_loop3A_61 step %parallel_loop3A_62  : i32 {
      %parallel_loop3A_78 = arith.constant 16 : i32
      %parallel_loop3A_79 = arith.muli %parallel_loop3A_77, %parallel_loop3A_78 : i32
      %parallel_loop3A_80 = arith.index_cast %parallel_loop3A_79 : i32 to index
      %parallel_loop3A_81 = tpu.vector_load %arg6[%parallel_loop3A_80] {strides = array<i32>} : memref<16384xf32, #tpu.memory_space<vmem>>, vector<16xf32>,
      %parallel_loop3A_82 = vector.bitcast %parallel_loop3A_81 : vector<16xf32> to vector<16xi32>
      %parallel_loop3A_83 = arith.constant 16 : i32
      %parallel_loop3A_84 = vector.broadcast %parallel_loop3A_83 : i32 to vector<16xi32>
      %parallel_loop3A_85 = arith.shrsi %parallel_loop3A_82, %parallel_loop3A_84 : vector<16xi32>
      %parallel_loop3A_86 = arith.cmpi eq, %parallel_loop3A_85, %get3A_3 : vector<16xi32>
      %parallel_loop3A_87 = arith.constant 65535 : i32
      %parallel_loop3A_88 = vector.broadcast %parallel_loop3A_87 : i32 to vector<16xi32>
      %parallel_loop3A_89 = arith.andi %parallel_loop3A_82, %parallel_loop3A_88 : vector<16xi32>
      tpu.vector_store_idx %arg7[%parallel_loop3A_89], %broadcast_in_dim3A_8 masked %parallel_loop3A_86 {add = true} : memref<65536xi32, #tpu.memory_space<vmem>>[vector<16xi32>], vector<16xi32>, vector<16xi1>
    } {sc.loop_unroll_factor = 8 : i64, sc.parallel_access}
    %add3A_63 = arith.constant 114688 : i32
    %add3A_64 = arith.addi %mul3A_2, %add3A_63 : i32
    %dma_start3A_65 = tpu.memref_slice %arg2[%add3A_64] : memref<4194304xf32, #tpu.memory_space<hbm>> -> memref<16384xf32, #tpu.memory_space<hbm>>
    %dma_start3A_66 = tpu.memref_slice %arg2[%add3A_64] : memref<4194304xf32, #tpu.memory_space<hbm>> -> memref<16384xf32, #tpu.memory_space<hbm>>
    tpu.enqueue_dma source(%dma_start3A_66 : memref<16384xf32, #tpu.memory_space<hbm>>) target(%arg6 : memref<16384xf32, #tpu.memory_space<vmem>>) target_semaphore(%arg10 : memref<!tpu.dma_semaphore, #tpu.memory_space<semaphore_mem>>)
    %dma_wait3A_67 = tpu.memref_slice %arg2[%add3A_55] : memref<4194304xf32, #tpu.memory_space<hbm>> -> memref<16384xf32, #tpu.memory_space<hbm>>
    %dma_wait3A_68 = tpu.memref_slice %arg2[%add3A_55] : memref<4194304xf32, #tpu.memory_space<hbm>> -> memref<16384xf32, #tpu.memory_space<hbm>>
    tpu.wait_dma2 semaphore(%arg9 : memref<!tpu.dma_semaphore, #tpu.memory_space<semaphore_mem>>) src(%dma_wait3A_68 : memref<16384xf32, #tpu.memory_space<hbm>>) dst(%arg5 : memref<16384xf32, #tpu.memory_space<vmem>>)
    %parallel_loop3A_69 = arith.constant 0 : i32
    %parallel_loop3A_70 = arith.constant 1024 : i32
    %parallel_loop3A_71 = arith.constant 1 : i32
    scf.for %parallel_loop3A_77 = %parallel_loop3A_69 to %parallel_loop3A_70 step %parallel_loop3A_71  : i32 {
      %parallel_loop3A_78 = arith.constant 16 : i32
      %parallel_loop3A_79 = arith.muli %parallel_loop3A_77, %parallel_loop3A_78 : i32
      %parallel_loop3A_80 = arith.index_cast %parallel_loop3A_79 : i32 to index
      %parallel_loop3A_81 = tpu.vector_load %arg5[%parallel_loop3A_80] {strides = array<i32>} : memref<16384xf32, #tpu.memory_space<vmem>>, vector<16xf32>,
      %parallel_loop3A_82 = vector.bitcast %parallel_loop3A_81 : vector<16xf32> to vector<16xi32>
      %parallel_loop3A_83 = arith.constant 16 : i32
      %parallel_loop3A_84 = vector.broadcast %parallel_loop3A_83 : i32 to vector<16xi32>
      %parallel_loop3A_85 = arith.shrsi %parallel_loop3A_82, %parallel_loop3A_84 : vector<16xi32>
      %parallel_loop3A_86 = arith.cmpi eq, %parallel_loop3A_85, %get3A_3 : vector<16xi32>
      %parallel_loop3A_87 = arith.constant 65535 : i32
      %parallel_loop3A_88 = vector.broadcast %parallel_loop3A_87 : i32 to vector<16xi32>
      %parallel_loop3A_89 = arith.andi %parallel_loop3A_82, %parallel_loop3A_88 : vector<16xi32>
      tpu.vector_store_idx %arg7[%parallel_loop3A_89], %broadcast_in_dim3A_8 masked %parallel_loop3A_86 {add = true} : memref<65536xi32, #tpu.memory_space<vmem>>[vector<16xi32>], vector<16xi32>, vector<16xi1>
    } {sc.loop_unroll_factor = 8 : i64, sc.parallel_access}
    %dma_wait3A_72 = tpu.memref_slice %arg2[%add3A_64] : memref<4194304xf32, #tpu.memory_space<hbm>> -> memref<16384xf32, #tpu.memory_space<hbm>>
    %dma_wait3A_73 = tpu.memref_slice %arg2[%add3A_64] : memref<4194304xf32, #tpu.memory_space<hbm>> -> memref<16384xf32, #tpu.memory_space<hbm>>
    tpu.wait_dma2 semaphore(%arg10 : memref<!tpu.dma_semaphore, #tpu.memory_space<semaphore_mem>>) src(%dma_wait3A_73 : memref<16384xf32, #tpu.memory_space<hbm>>) dst(%arg6 : memref<16384xf32, #tpu.memory_space<vmem>>)
    %parallel_loop3A_74 = arith.constant 0 : i32
    %parallel_loop3A_75 = arith.constant 1024 : i32
    %parallel_loop3A_76 = arith.constant 1 : i32
    scf.for %parallel_loop3A_77 = %parallel_loop3A_74 to %parallel_loop3A_75 step %parallel_loop3A_76  : i32 {
      %parallel_loop3A_78 = arith.constant 16 : i32
      %parallel_loop3A_79 = arith.muli %parallel_loop3A_77, %parallel_loop3A_78 : i32
      %parallel_loop3A_80 = arith.index_cast %parallel_loop3A_79 : i32 to index
      %parallel_loop3A_81 = tpu.vector_load %arg6[%parallel_loop3A_80] {strides = array<i32>} : memref<16384xf32, #tpu.memory_space<vmem>>, vector<16xf32>,
      %parallel_loop3A_82 = vector.bitcast %parallel_loop3A_81 : vector<16xf32> to vector<16xi32>
      %parallel_loop3A_83 = arith.constant 16 : i32
      %parallel_loop3A_84 = vector.broadcast %parallel_loop3A_83 : i32 to vector<16xi32>
      %parallel_loop3A_85 = arith.shrsi %parallel_loop3A_82, %parallel_loop3A_84 : vector<16xi32>
      %parallel_loop3A_86 = arith.cmpi eq, %parallel_loop3A_85, %get3A_3 : vector<16xi32>
      %parallel_loop3A_87 = arith.constant 65535 : i32
      %parallel_loop3A_88 = vector.broadcast %parallel_loop3A_87 : i32 to vector<16xi32>
      %parallel_loop3A_89 = arith.andi %parallel_loop3A_82, %parallel_loop3A_88 : vector<16xi32>
      tpu.vector_store_idx %arg7[%parallel_loop3A_89], %broadcast_in_dim3A_8 masked %parallel_loop3A_86 {add = true} : memref<65536xi32, #tpu.memory_space<vmem>>[vector<16xi32>], vector<16xi32>, vector<16xi1>
    } {sc.loop_unroll_factor = 8 : i64, sc.parallel_access}
    "tpu.region"() ({
      %run_scoped3A = tpu.sem_alloc : memref<!tpu.dma_semaphore, #tpu.memory_space<semaphore_mem>>
      %dma_start3A_77 = arith.constant 0 : i32
      %dma_start3A_78 = tpu.memref_slice %arg4[%add3A, %dma_start3A_77] : memref<32x65536xi32, #tpu.memory_space<hbm>> -> memref<1x65536xi32, #tpu.memory_space<hbm>>
      %dma_start3A_79 = tpu.memref_squeeze %dma_start3A_78 : memref<1x65536xi32, #tpu.memory_space<hbm>> -> memref<65536xi32, #tpu.memory_space<hbm>>
      %dma_start3A_80 = arith.constant 0 : i32
      %dma_start3A_81 = tpu.memref_slice %arg4[%add3A, %dma_start3A_80] : memref<32x65536xi32, #tpu.memory_space<hbm>> -> memref<1x65536xi32, #tpu.memory_space<hbm>>
      %dma_start3A_82 = tpu.memref_squeeze %dma_start3A_81 : memref<1x65536xi32, #tpu.memory_space<hbm>> -> memref<65536xi32, #tpu.memory_space<hbm>>
      tpu.enqueue_dma source(%arg7 : memref<65536xi32, #tpu.memory_space<vmem>>) target(%dma_start3A_82 : memref<65536xi32, #tpu.memory_space<hbm>>) target_semaphore(%run_scoped3A : memref<!tpu.dma_semaphore, #tpu.memory_space<semaphore_mem>>)
      %dma_wait3A_83 = arith.constant 0 : i32
      %dma_wait3A_84 = tpu.memref_slice %arg4[%add3A, %dma_wait3A_83] : memref<32x65536xi32, #tpu.memory_space<hbm>> -> memref<1x65536xi32, #tpu.memory_space<hbm>>
      %dma_wait3A_85 = tpu.memref_squeeze %dma_wait3A_84 : memref<1x65536xi32, #tpu.memory_space<hbm>> -> memref<65536xi32, #tpu.memory_space<hbm>>
      %dma_wait3A_86 = arith.constant 0 : i32
      %dma_wait3A_87 = tpu.memref_slice %arg4[%add3A, %dma_wait3A_86] : memref<32x65536xi32, #tpu.memory_space<hbm>> -> memref<1x65536xi32, #tpu.memory_space<hbm>>
      %dma_wait3A_88 = tpu.memref_squeeze %dma_wait3A_87 : memref<1x65536xi32, #tpu.memory_space<hbm>> -> memref<65536xi32, #tpu.memory_space<hbm>>
      tpu.wait_dma2 semaphore(%run_scoped3A : memref<!tpu.dma_semaphore, #tpu.memory_space<semaphore_mem>>) src(%arg7 : memref<65536xi32, #tpu.memory_space<vmem>>) dst(%dma_wait3A_88 : memref<65536xi32, #tpu.memory_space<hbm>>)
      tpu.yield
    }) : () -> ()
    return
  }
}

module attributes {stable_mosaic.version = 14 : i64} {
  func.func @_glue1_body(%arg0: memref<32x32768xi32, #tpu.memory_space<vmem>>, %arg1: memref<1x128xi32, #tpu.memory_space<vmem>>, %arg2: memref<1x1xi32, #tpu.memory_space<vmem>>) attributes {dimension_semantics = [], scalar_prefetch = 0 : i64, scratch_operands = 0 : i64, tpu.core_type = #tpu.core_type<tc>} {
    %get3A = arith.constant 0 : index
    %get3A_0 = arith.constant 0 : index
    %get3A_1 = vector.load %arg0[%get3A, %get3A_0] : memref<32x32768xi32, #tpu.memory_space<vmem>>, vector<32x32768xi32>
    %reduce_sum3A = arith.constant dense<0> : vector<32768xi32>
    %reduce_sum3A_2 = vector.multi_reduction <add>, %get3A_1, %reduce_sum3A [0] : vector<32x32768xi32> to vector<32768xi32>
    %broadcast_in_dim3A = vector.shape_cast %reduce_sum3A_2 : vector<32768xi32> to vector<1x32768xi32>
    %iota3A = tpu.iota {dimensions = array<i32: 1>} : vector<1x32768xi32>
    %scan3A = arith.constant 0 : i32
    %scan3A_3 = arith.constant 32768 : i32
    %scan3A_4 = arith.constant 0 : i32
    %scan3A_5 = arith.constant 15 : i32
    %scan3A_6 = arith.addi %scan3A_4, %scan3A_5 : i32
    %scan3A_7 = arith.constant 1 : i32
    %scan3A_8:2 = scf.for %scan3A_23 = %scan3A_4 to %scan3A_6 step %scan3A_7 iter_args(%scan3A_24 = %scan3A, %scan3A_25 = %scan3A_3) -> (i32, i32)  : i32 {
      %add3A = arith.addi %scan3A_24, %scan3A_25 : i32
      %jit3A_26 = arith.constant 2 : i32
      %div3A = arith.divsi %add3A, %jit3A_26 : i32
      %sign3A = arith.constant 0 : i32
      %sign3A_27 = arith.cmpi sgt, %add3A, %sign3A : i32
      %sign3A_28 = arith.extui %sign3A_27 : i1 to i32
      %sign3A_29 = arith.constant 0 : i32
      %sign3A_30 = arith.cmpi slt, %add3A, %sign3A_29 : i32
      %sign3A_31 = arith.extui %sign3A_30 : i1 to i32
      %sign3A_32 = arith.subi %sign3A_28, %sign3A_31 : i32
      %sign3A_33 = arith.constant 0 : i32
      %sign3A_34 = arith.cmpi sgt, %jit3A_26, %sign3A_33 : i32
      %sign3A_35 = arith.extui %sign3A_34 : i1 to i32
      %sign3A_36 = arith.constant 0 : i32
      %sign3A_37 = arith.cmpi slt, %jit3A_26, %sign3A_36 : i32
      %sign3A_38 = arith.extui %sign3A_37 : i1 to i32
      %sign3A_39 = arith.subi %sign3A_35, %sign3A_38 : i32
      %ne3A = arith.cmpi ne, %sign3A_32, %sign3A_39 : i32
      %rem3A = arith.remsi %add3A, %jit3A_26 : i32
      %ne3A_40 = arith.constant 0 : i32
      %ne3A_41 = arith.cmpi ne, %rem3A, %ne3A_40 : i32
      %and3A = arith.andi %ne3A, %ne3A_41 : i1
      %sub3A = arith.constant 1 : i32
      %sub3A_42 = arith.subi %div3A, %sub3A : i32
      %select_n3A_43 = arith.select %and3A, %sub3A_42, %div3A : i32
      %ge3A = vector.broadcast %select_n3A_43 : i32 to vector<1x32768xi32>
      %ge3A_44 = arith.cmpi sge, %iota3A, %ge3A : vector<1x32768xi32>
      %jit3A_45 = arith.constant 0 : i32
      %broadcast_in_dim3A_46 = vector.broadcast %jit3A_45 : i32 to vector<1x32768xi32>
      %select_n3A_47 = arith.select %ge3A_44, %broadcast_in_dim3A, %broadcast_in_dim3A_46 : vector<1x32768xi1>, vector<1x32768xi32>
      %reduce_sum3A_48 = vector.shape_cast %select_n3A_47 : vector<1x32768xi32> to vector<1x1x32768xi32>
      %reduce_sum3A_49 = arith.constant dense<0> : vector<1xi32>
      %reduce_sum3A_50 = vector.multi_reduction <add>, %reduce_sum3A_48, %reduce_sum3A_49 [1, 2] : vector<1x1x32768xi32> to vector<1xi32>
      %reduce_sum3A_51 = vector.shape_cast %reduce_sum3A_50 : vector<1xi32> to vector<1x1x1xi32>
      %reduce_sum3A_52 = vector.extract %reduce_sum3A_51[0, 0, 0] : i32 from vector<1x1x1xi32>
      %ge3A_53 = arith.constant 1048576 : i32
      %ge3A_54 = arith.cmpi sge, %reduce_sum3A_52, %ge3A_53 : i32
      %select_n3A_55 = arith.select %ge3A_54, %select_n3A_43, %scan3A_24 : i32
      %select_n3A_56 = arith.select %ge3A_54, %scan3A_25, %select_n3A_43 : i32
      scf.yield %select_n3A_55, %select_n3A_56 : i32, i32
    }
    %gt3A = vector.broadcast %scan3A_8#0 : i32 to vector<1x32768xi32>
    %gt3A_9 = arith.cmpi sgt, %iota3A, %gt3A : vector<1x32768xi32>
    %jit3A = arith.constant 0 : i32
    %broadcast_in_dim3A_10 = vector.broadcast %jit3A : i32 to vector<1x32768xi32>
    %select_n3A = arith.select %gt3A_9, %broadcast_in_dim3A, %broadcast_in_dim3A_10 : vector<1x32768xi1>, vector<1x32768xi32>
    %reduce_sum3A_11 = vector.shape_cast %select_n3A : vector<1x32768xi32> to vector<1x1x32768xi32>
    %reduce_sum3A_12 = arith.constant dense<0> : vector<1xi32>
    %reduce_sum3A_13 = vector.multi_reduction <add>, %reduce_sum3A_11, %reduce_sum3A_12 [1, 2] : vector<1x1x32768xi32> to vector<1xi32>
    %reduce_sum3A_14 = vector.shape_cast %reduce_sum3A_13 : vector<1xi32> to vector<1x1x1xi32>
    %reduce_sum3A_15 = vector.extract %reduce_sum3A_14[0, 0, 0] : i32 from vector<1x1x1xi32>
    %broadcast_in_dim3A_16 = vector.broadcast %scan3A_8#0 : i32 to vector<1x128xi32>
    %swap3A = arith.constant 0 : index
    %swap3A_17 = arith.constant 0 : index
    %swap3A_18 = vector.load %arg1[%swap3A, %swap3A_17] : memref<1x128xi32, #tpu.memory_space<vmem>>, vector<1x128xi32>
    tpu.vector_store %arg1[%swap3A, %swap3A_17], %broadcast_in_dim3A_16 {strides = array<i32>} : memref<1x128xi32, #tpu.memory_space<vmem>>, vector<1x128xi32>,
    %broadcast_in_dim3A_19 = vector.broadcast %reduce_sum3A_15 : i32 to vector<1x1xi32>
    %swap3A_20 = arith.constant 0 : index
    %swap3A_21 = arith.constant 0 : index
    %swap3A_22 = vector.load %arg2[%swap3A_20, %swap3A_21] : memref<1x1xi32, #tpu.memory_space<vmem>>, vector<1x1xi32>
    tpu.vector_store %arg2[%swap3A_20, %swap3A_21], %broadcast_in_dim3A_19 {strides = array<i32>} : memref<1x1xi32, #tpu.memory_space<vmem>>, vector<1x1xi32>,
    return
  }
}

module attributes {stable_mosaic.version = 14 : i64} {
  func.func @_loss_body(%arg0: i32, %arg1: memref<1024x512xf32, #tpu.memory_space<vmem>>, %arg2: memref<1024x512xf32, #tpu.memory_space<vmem>>, %arg3: memref<1024x512xf32, #tpu.memory_space<vmem>>) attributes {dimension_semantics = [#tpu.dimension_semantics<arbitrary>], iteration_bounds = array<i64: 8>, scalar_prefetch = 0 : i64, scratch_operands = 0 : i64, tpu.core_type = #tpu.core_type<tc>, window_params = [{transform_indices = @transform_0, window_bounds = array<i64: 1024, 512>}, {transform_indices = @transform_1, window_bounds = array<i64: 1024, 512>}, {transform_indices = @transform_2, window_bounds = array<i64: 1024, 512>}]} {
    %get3A = arith.constant 0 : index
    %get3A_0 = arith.constant 0 : index
    %get3A_1 = vector.load %arg1[%get3A, %get3A_0] : memref<1024x512xf32, #tpu.memory_space<vmem>>, vector<1024x512xf32>
    %get3A_2 = arith.constant 0 : index
    %get3A_3 = arith.constant 0 : index
    %get3A_4 = vector.load %arg2[%get3A_2, %get3A_3] : memref<1024x512xf32, #tpu.memory_space<vmem>>, vector<1024x512xf32>
    %max3A = arith.constant 0.000000e+00 : f32
    %max3A_5 = vector.broadcast %max3A : f32 to vector<1024x512xf32>
    %max3A_6 = arith.maximumf %get3A_1, %max3A_5 : vector<1024x512xf32>
    %mul3A = arith.mulf %get3A_1, %get3A_4 : vector<1024x512xf32>
    %sub3A = arith.subf %max3A_6, %mul3A : vector<1024x512xf32>
    %abs3A = math.absf %get3A_1 : vector<1024x512xf32>
    %neg3A = arith.constant 0.000000e+00 : f32
    %neg3A_7 = vector.broadcast %neg3A : f32 to vector<1024x512xf32>
    %neg3A_8 = arith.subf %neg3A_7, %abs3A : vector<1024x512xf32>
    %exp3A = math.exp %neg3A_8 : vector<1024x512xf32>
    %log1p3A = math.log1p %exp3A : vector<1024x512xf32>
    %add3A = arith.addf %sub3A, %log1p3A : vector<1024x512xf32>
    %swap3A = arith.constant 0 : index
    %swap3A_9 = arith.constant 0 : index
    %swap3A_10 = vector.load %arg3[%swap3A, %swap3A_9] : memref<1024x512xf32, #tpu.memory_space<vmem>>, vector<1024x512xf32>
    tpu.vector_store %arg3[%swap3A, %swap3A_9], %add3A {strides = array<i32>} : memref<1024x512xf32, #tpu.memory_space<vmem>>, vector<1024x512xf32>,
    return
  }
  func.func @transform_0(%arg0: i32) -> (i32, i32) {
    %c0_i32 = arith.constant 0 : i32
    %c0_i32_0 = arith.constant 0 : i32
    return %arg0, %c0_i32 : i32, i32
  }
  func.func @transform_1(%arg0: i32) -> (i32, i32) {
    %c0_i32 = arith.constant 0 : i32
    %c0_i32_0 = arith.constant 0 : i32
    return %arg0, %c0_i32 : i32, i32
  }
  func.func @transform_2(%arg0: i32) -> (i32, i32) {
    %c0_i32 = arith.constant 0 : i32
    %c0_i32_0 = arith.constant 0 : i32
    return %arg0, %c0_i32 : i32, i32
  }
}

module attributes {stable_mosaic.version = 14 : i64} {
  func.func @_sumpass_body(%arg0: i32, %arg1: memref<1024x512xf32, #tpu.memory_space<vmem>>, %arg2: memref<1x128xi32, #tpu.memory_space<vmem>>, %arg3: memref<1x1xf32, #tpu.memory_space<vmem>>, %arg4: memref<1xf32, #tpu.memory_space<smem>>) attributes {dimension_semantics = [#tpu.dimension_semantics<arbitrary>], iteration_bounds = array<i64: 8>, scalar_prefetch = 0 : i64, scratch_operands = 1 : i64, tpu.core_type = #tpu.core_type<tc>, window_params = [{transform_indices = @transform_0, window_bounds = array<i64: 1024, 512>}, {pipeline_mode = #tpu.pipeline_mode<synchronous>, transform_indices = @transform_1, window_bounds = array<i64: 1, 128>}, {pipeline_mode = #tpu.pipeline_mode<synchronous>, transform_indices = @transform_2, window_bounds = array<i64: 1, 1>}]} {
    %eq3A = arith.constant 0 : i32
    %eq3A_0 = arith.cmpi eq, %arg0, %eq3A : i32
    %convert_element_type3A = arith.extui %eq3A_0 : i1 to i32
    %cond3A = arith.constant 0 : i32
    %cond3A_1 = arith.cmpi ne, %convert_element_type3A, %cond3A : i32
    scf.if %cond3A_1 {
      %swap3A_26 = arith.constant 0.000000e+00 : f32
      %swap3A_27 = arith.constant 0 : index
      %swap3A_28 = memref.load %arg4[%swap3A_27] : memref<1xf32, #tpu.memory_space<smem>>
      memref.store %swap3A_26, %arg4[%swap3A_27] : memref<1xf32, #tpu.memory_space<smem>>
    } else {
    }
    %get3A = arith.constant 0 : index
    %get3A_2 = arith.constant 0 : index
    %get3A_3 = vector.load %arg2[%get3A, %get3A_2] : memref<1x128xi32, #tpu.memory_space<vmem>>, vector<1x128xi32>
    %reduce_max3A = vector.shape_cast %get3A_3 : vector<1x128xi32> to vector<1x1x128xi32>
    %reduce_max3A_4 = arith.constant dense<-2147483648> : vector<1xi32>
    %reduce_max3A_5 = vector.multi_reduction <maxsi>, %reduce_max3A, %reduce_max3A_4 [1, 2] : vector<1x1x128xi32> to vector<1xi32>
    %reduce_max3A_6 = vector.shape_cast %reduce_max3A_5 : vector<1xi32> to vector<1x1x1xi32>
    %reduce_max3A_7 = vector.extract %reduce_max3A_6[0, 0, 0] : i32 from vector<1x1x1xi32>
    %get3A_8 = arith.constant 0 : index
    %get3A_9 = arith.constant 0 : index
    %get3A_10 = vector.load %arg1[%get3A_8, %get3A_9] : memref<1024x512xf32, #tpu.memory_space<vmem>>, vector<1024x512xf32>
    %bitcast_convert_type3A = tpu.bitcast %get3A_10 : vector<1024x512xf32> -> vector<1024x512xi32>
    %shift_right_arithmetic3A = arith.constant 16 : i32
    %shift_right_arithmetic3A_11 = vector.broadcast %shift_right_arithmetic3A : i32 to vector<1024x512xi32>
    %shift_right_arithmetic3A_12 = arith.shrsi %bitcast_convert_type3A, %shift_right_arithmetic3A_11 : vector<1024x512xi32>
    %gt3A = vector.broadcast %reduce_max3A_7 : i32 to vector<1024x512xi32>
    %gt3A_13 = arith.cmpi sgt, %shift_right_arithmetic3A_12, %gt3A : vector<1024x512xi32>
    %get3A_14 = arith.constant 0 : index
    %get3A_15 = memref.load %arg4[%get3A_14] : memref<1xf32, #tpu.memory_space<smem>>
    %jit3A = arith.constant 0.000000e+00 : f32
    %broadcast_in_dim3A = vector.broadcast %jit3A : f32 to vector<1024x512xf32>
    %select_n3A = arith.select %gt3A_13, %get3A_10, %broadcast_in_dim3A : vector<1024x512xi1>, vector<1024x512xf32>
    %reduce_sum3A = vector.shape_cast %select_n3A : vector<1024x512xf32> to vector<1x1024x512xf32>
    %reduce_sum3A_16 = arith.constant dense<0.000000e+00> : vector<1xf32>
    %reduce_sum3A_17 = vector.multi_reduction <add>, %reduce_sum3A, %reduce_sum3A_16 [1, 2] : vector<1x1024x512xf32> to vector<1xf32>
    %reduce_sum3A_18 = vector.shape_cast %reduce_sum3A_17 : vector<1xf32> to vector<1x1x1xf32>
    %reduce_sum3A_19 = vector.extract %reduce_sum3A_18[0, 0, 0] : f32 from vector<1x1x1xf32>
    %add3A = arith.addf %get3A_15, %reduce_sum3A_19 : f32
    %swap3A = arith.constant 0 : index
    %swap3A_20 = memref.load %arg4[%swap3A] : memref<1xf32, #tpu.memory_space<smem>>
    memref.store %add3A, %arg4[%swap3A] : memref<1xf32, #tpu.memory_space<smem>>
    %eq3A_21 = arith.constant 7 : i32
    %eq3A_22 = arith.cmpi eq, %arg0, %eq3A_21 : i32
    %convert_element_type3A_23 = arith.extui %eq3A_22 : i1 to i32
    %cond3A_24 = arith.constant 0 : i32
    %cond3A_25 = arith.cmpi ne, %convert_element_type3A_23, %cond3A_24 : i32
    scf.if %cond3A_25 {
      %get3A_26 = arith.constant 0 : index
      %get3A_27 = memref.load %arg4[%get3A_26] : memref<1xf32, #tpu.memory_space<smem>>
      %broadcast_in_dim3A_28 = vector.broadcast %get3A_27 : f32 to vector<1x1xf32>
      %swap3A_29 = arith.constant 0 : index
      %swap3A_30 = arith.constant 0 : index
      %swap3A_31 = vector.load %arg3[%swap3A_29, %swap3A_30] : memref<1x1xf32, #tpu.memory_space<vmem>>, vector<1x1xf32>
      tpu.vector_store %arg3[%swap3A_29, %swap3A_30], %broadcast_in_dim3A_28 {strides = array<i32>} : memref<1x1xf32, #tpu.memory_space<vmem>>, vector<1x1xf32>,
    } else {
    }
    return
  }
  func.func @transform_0(%arg0: i32) -> (i32, i32) {
    %c0_i32 = arith.constant 0 : i32
    %c0_i32_0 = arith.constant 0 : i32
    return %arg0, %c0_i32 : i32, i32
  }
  func.func @transform_1(%arg0: i32) -> (i32, i32) {
    %c0_i32 = arith.constant 0 : i32
    %c0_i32_0 = arith.constant 0 : i32
    %c0_i32_1 = arith.constant 0 : i32
    return %c0_i32, %c0_i32_0 : i32, i32
  }
  func.func @transform_2(%arg0: i32) -> (i32, i32) {
    %c0_i32 = arith.constant 0 : i32
    %c0_i32_0 = arith.constant 0 : i32
    %c0_i32_1 = arith.constant 0 : i32
    return %c0_i32, %c0_i32_0 : i32, i32
  }
}

module attributes {stable_mosaic.version = 14 : i64} {
  func.func @_glue2_body(%arg0: memref<32x65536xi32, #tpu.memory_space<vmem>>, %arg1: memref<1x128xi32, #tpu.memory_space<vmem>>, %arg2: memref<1x1xi32, #tpu.memory_space<vmem>>, %arg3: memref<1x1xf32, #tpu.memory_space<vmem>>, %arg4: memref<1x1xf32, #tpu.memory_space<vmem>>) attributes {dimension_semantics = [], scalar_prefetch = 0 : i64, scratch_operands = 0 : i64, tpu.core_type = #tpu.core_type<tc>} {
    %get3A = arith.constant 0 : index
    %get3A_0 = arith.constant 0 : index
    %get3A_1 = vector.load %arg0[%get3A, %get3A_0] : memref<32x65536xi32, #tpu.memory_space<vmem>>, vector<32x65536xi32>
    %reduce_sum3A = arith.constant dense<0> : vector<65536xi32>
    %reduce_sum3A_2 = vector.multi_reduction <add>, %get3A_1, %reduce_sum3A [0] : vector<32x65536xi32> to vector<65536xi32>
    %broadcast_in_dim3A = vector.shape_cast %reduce_sum3A_2 : vector<65536xi32> to vector<1x65536xi32>
    %iota3A = tpu.iota {dimensions = array<i32: 1>} : vector<1x65536xi32>
    %get3A_3 = arith.constant 0 : index
    %get3A_4 = arith.constant 0 : index
    %get3A_5 = vector.load %arg1[%get3A_3, %get3A_4] : memref<1x128xi32, #tpu.memory_space<vmem>>, vector<1x128xi32>
    %reduce_max3A = vector.shape_cast %get3A_5 : vector<1x128xi32> to vector<1x1x128xi32>
    %reduce_max3A_6 = arith.constant dense<-2147483648> : vector<1xi32>
    %reduce_max3A_7 = vector.multi_reduction <maxsi>, %reduce_max3A, %reduce_max3A_6 [1, 2] : vector<1x1x128xi32> to vector<1xi32>
    %reduce_max3A_8 = vector.shape_cast %reduce_max3A_7 : vector<1xi32> to vector<1x1x1xi32>
    %reduce_max3A_9 = vector.extract %reduce_max3A_8[0, 0, 0] : i32 from vector<1x1x1xi32>
    %get3A_10 = arith.constant 0 : index
    %get3A_11 = arith.constant 0 : index
    %get3A_12 = vector.load %arg2[%get3A_10, %get3A_11] : memref<1x1xi32, #tpu.memory_space<vmem>>, vector<1x1xi32>
    %reduce_sum3A_13 = vector.shape_cast %get3A_12 : vector<1x1xi32> to vector<1x1x1xi32>
    %reduce_sum3A_14 = arith.constant dense<0> : vector<1xi32>
    %reduce_sum3A_15 = vector.multi_reduction <add>, %reduce_sum3A_13, %reduce_sum3A_14 [1, 2] : vector<1x1x1xi32> to vector<1xi32>
    %reduce_sum3A_16 = vector.shape_cast %reduce_sum3A_15 : vector<1xi32> to vector<1x1x1xi32>
    %reduce_sum3A_17 = vector.extract %reduce_sum3A_16[0, 0, 0] : i32 from vector<1x1x1xi32>
    %get3A_18 = arith.constant 0 : index
    %get3A_19 = arith.constant 0 : index
    %get3A_20 = vector.load %arg3[%get3A_18, %get3A_19] : memref<1x1xf32, #tpu.memory_space<vmem>>, vector<1x1xf32>
    %reduce_sum3A_21 = vector.shape_cast %get3A_20 : vector<1x1xf32> to vector<1x1x1xf32>
    %reduce_sum3A_22 = arith.constant dense<0.000000e+00> : vector<1xf32>
    %reduce_sum3A_23 = vector.multi_reduction <add>, %reduce_sum3A_21, %reduce_sum3A_22 [1, 2] : vector<1x1x1xf32> to vector<1xf32>
    %reduce_sum3A_24 = vector.shape_cast %reduce_sum3A_23 : vector<1xf32> to vector<1x1x1xf32>
    %reduce_sum3A_25 = vector.extract %reduce_sum3A_24[0, 0, 0] : f32 from vector<1x1x1xf32>
    %scan3A = arith.constant 0 : i32
    %scan3A_26 = arith.constant 65536 : i32
    %scan3A_27 = arith.constant 0 : i32
    %scan3A_28 = arith.constant 16 : i32
    %scan3A_29 = arith.addi %scan3A_27, %scan3A_28 : i32
    %scan3A_30 = arith.constant 1 : i32
    %scan3A_31:2 = scf.for %scan3A_64 = %scan3A_27 to %scan3A_29 step %scan3A_30 iter_args(%scan3A_65 = %scan3A, %scan3A_66 = %scan3A_26) -> (i32, i32)  : i32 {
      %add3A_67 = arith.addi %scan3A_65, %scan3A_66 : i32
      %jit3A_68 = arith.constant 2 : i32
      %div3A_69 = arith.divsi %add3A_67, %jit3A_68 : i32
      %sign3A = arith.constant 0 : i32
      %sign3A_70 = arith.cmpi sgt, %add3A_67, %sign3A : i32
      %sign3A_71 = arith.extui %sign3A_70 : i1 to i32
      %sign3A_72 = arith.constant 0 : i32
      %sign3A_73 = arith.cmpi slt, %add3A_67, %sign3A_72 : i32
      %sign3A_74 = arith.extui %sign3A_73 : i1 to i32
      %sign3A_75 = arith.subi %sign3A_71, %sign3A_74 : i32
      %sign3A_76 = arith.constant 0 : i32
      %sign3A_77 = arith.cmpi sgt, %jit3A_68, %sign3A_76 : i32
      %sign3A_78 = arith.extui %sign3A_77 : i1 to i32
      %sign3A_79 = arith.constant 0 : i32
      %sign3A_80 = arith.cmpi slt, %jit3A_68, %sign3A_79 : i32
      %sign3A_81 = arith.extui %sign3A_80 : i1 to i32
      %sign3A_82 = arith.subi %sign3A_78, %sign3A_81 : i32
      %ne3A = arith.cmpi ne, %sign3A_75, %sign3A_82 : i32
      %rem3A = arith.remsi %add3A_67, %jit3A_68 : i32
      %ne3A_83 = arith.constant 0 : i32
      %ne3A_84 = arith.cmpi ne, %rem3A, %ne3A_83 : i32
      %and3A = arith.andi %ne3A, %ne3A_84 : i1
      %sub3A_85 = arith.constant 1 : i32
      %sub3A_86 = arith.subi %div3A_69, %sub3A_85 : i32
      %select_n3A_87 = arith.select %and3A, %sub3A_86, %div3A_69 : i32
      %ge3A = vector.broadcast %select_n3A_87 : i32 to vector<1x65536xi32>
      %ge3A_88 = arith.cmpi sge, %iota3A, %ge3A : vector<1x65536xi32>
      %jit3A_89 = arith.constant 0 : i32
      %broadcast_in_dim3A_90 = vector.broadcast %jit3A_89 : i32 to vector<1x65536xi32>
      %select_n3A_91 = arith.select %ge3A_88, %broadcast_in_dim3A, %broadcast_in_dim3A_90 : vector<1x65536xi1>, vector<1x65536xi32>
      %reduce_sum3A_92 = vector.shape_cast %select_n3A_91 : vector<1x65536xi32> to vector<1x1x65536xi32>
      %reduce_sum3A_93 = arith.constant dense<0> : vector<1xi32>
      %reduce_sum3A_94 = vector.multi_reduction <add>, %reduce_sum3A_92, %reduce_sum3A_93 [1, 2] : vector<1x1x65536xi32> to vector<1xi32>
      %reduce_sum3A_95 = vector.shape_cast %reduce_sum3A_94 : vector<1xi32> to vector<1x1x1xi32>
      %reduce_sum3A_96 = vector.extract %reduce_sum3A_95[0, 0, 0] : i32 from vector<1x1x1xi32>
      %add3A_97 = arith.addi %reduce_sum3A_17, %reduce_sum3A_96 : i32
      %ge3A_98 = arith.constant 1048576 : i32
      %ge3A_99 = arith.cmpi sge, %add3A_97, %ge3A_98 : i32
      %select_n3A_100 = arith.select %ge3A_99, %select_n3A_87, %scan3A_65 : i32
      %select_n3A_101 = arith.select %ge3A_99, %scan3A_66, %select_n3A_87 : i32
      scf.yield %select_n3A_100, %select_n3A_101 : i32, i32
    }
    %gt3A = vector.broadcast %scan3A_31#0 : i32 to vector<1x65536xi32>
    %gt3A_32 = arith.cmpi sgt, %iota3A, %gt3A : vector<1x65536xi32>
    %jit3A = arith.constant 0 : i32
    %broadcast_in_dim3A_33 = vector.broadcast %jit3A : i32 to vector<1x65536xi32>
    %select_n3A = arith.select %gt3A_32, %broadcast_in_dim3A, %broadcast_in_dim3A_33 : vector<1x65536xi1>, vector<1x65536xi32>
    %reduce_sum3A_34 = vector.shape_cast %select_n3A : vector<1x65536xi32> to vector<1x1x65536xi32>
    %reduce_sum3A_35 = arith.constant dense<0> : vector<1xi32>
    %reduce_sum3A_36 = vector.multi_reduction <add>, %reduce_sum3A_34, %reduce_sum3A_35 [1, 2] : vector<1x1x65536xi32> to vector<1xi32>
    %reduce_sum3A_37 = vector.shape_cast %reduce_sum3A_36 : vector<1xi32> to vector<1x1x1xi32>
    %reduce_sum3A_38 = vector.extract %reduce_sum3A_37[0, 0, 0] : i32 from vector<1x1x1xi32>
    %add3A = arith.addi %reduce_sum3A_17, %reduce_sum3A_38 : i32
    %shift_left3A = arith.constant 16 : i32
    %shift_left3A_39 = arith.shli %reduce_max3A_9, %shift_left3A : i32
    %or3A = arith.ori %shift_left3A_39, %scan3A_31#0 : i32
    %bitcast_convert_type3A = arith.bitcast %or3A : i32 to f32
    %shift_left3A_40 = arith.constant 16 : i32
    %shift_left3A_41 = arith.shli %reduce_max3A_9, %shift_left3A_40 : i32
    %or3A_42 = vector.broadcast %shift_left3A_41 : i32 to vector<1x65536xi32>
    %or3A_43 = arith.ori %or3A_42, %iota3A : vector<1x65536xi32>
    %bitcast_convert_type3A_44 = tpu.bitcast %or3A_43 : vector<1x65536xi32> -> vector<1x65536xf32>
    %gt3A_45 = vector.broadcast %scan3A_31#0 : i32 to vector<1x65536xi32>
    %gt3A_46 = arith.cmpi sgt, %iota3A, %gt3A_45 : vector<1x65536xi32>
    %convert_element_type3A = arith.sitofp %broadcast_in_dim3A : vector<1x65536xi32> to vector<1x65536xf32>
    %mul3A = arith.mulf %convert_element_type3A, %bitcast_convert_type3A_44 : vector<1x65536xf32>
    %jit3A_47 = arith.constant 0.000000e+00 : f32
    %broadcast_in_dim3A_48 = vector.broadcast %jit3A_47 : f32 to vector<1x65536xf32>
    %select_n3A_49 = arith.select %gt3A_46, %mul3A, %broadcast_in_dim3A_48 : vector<1x65536xi1>, vector<1x65536xf32>
    %reduce_sum3A_50 = vector.shape_cast %select_n3A_49 : vector<1x65536xf32> to vector<1x1x65536xf32>
    %reduce_sum3A_51 = arith.constant dense<0.000000e+00> : vector<1xf32>
    %reduce_sum3A_52 = vector.multi_reduction <add>, %reduce_sum3A_50, %reduce_sum3A_51 [1, 2] : vector<1x1x65536xf32> to vector<1xf32>
    %reduce_sum3A_53 = vector.shape_cast %reduce_sum3A_52 : vector<1xf32> to vector<1x1x1xf32>
    %reduce_sum3A_54 = vector.extract %reduce_sum3A_53[0, 0, 0] : f32 from vector<1x1x1xf32>
    %add3A_55 = arith.addf %reduce_sum3A_25, %reduce_sum3A_54 : f32
    %convert_element_type3A_56 = arith.sitofp %add3A : i32 to f32
    %sub3A = arith.constant 0x49800000 : f32
    %sub3A_57 = arith.subf %sub3A, %convert_element_type3A_56 : f32
    %mul3A_58 = arith.mulf %sub3A_57, %bitcast_convert_type3A : f32
    %add3A_59 = arith.addf %add3A_55, %mul3A_58 : f32
    %div3A = arith.constant 0x49800000 : f32
    %div3A_60 = arith.divf %add3A_59, %div3A : f32
    %broadcast_in_dim3A_61 = vector.broadcast %div3A_60 : f32 to vector<1x1xf32>
    %swap3A = arith.constant 0 : index
    %swap3A_62 = arith.constant 0 : index
    %swap3A_63 = vector.load %arg4[%swap3A, %swap3A_62] : memref<1x1xf32, #tpu.memory_space<vmem>>, vector<1x1xf32>
    tpu.vector_store %arg4[%swap3A, %swap3A_62], %broadcast_in_dim3A_61 {strides = array<i32>} : memref<1x1xf32, #tpu.memory_space<vmem>>, vector<1x1xf32>,
    return
  }
}

</mosaic_0001>

<sc_bundles>
// kernel: kernel.11.cloned.1.call-start
scs
__scs_entry_jumppad:
0x0: {  	(pc) =	sbr.rel $0x88, $3  }
0x1: {  	(tag) =	ssettag $0x0;
	lr =	simm.s32 $0x1  }
0x2: {  	[smem:$0x3F9F] =	sst lr;
	_ =	strace $0xD0000000  }
0x3: {  	_ = 	snop  }
0x4: {  	_ = 	snop  }
0x5: {  	_ = 	snop  }
0x6: {  	_ = 	snop  }
0x7: {  	_ = 	snop  }
__scs_overlays_trampoline_lowered:
0x8: {  	[smem:$0x3FAE] =	sst s0  }
0x9: {  	[smem:$0x3FAF] =	sst s1  }
0xa: {  	[smem:$0x3FB0] =	sst s2  }
0xb: {  	[smem:$0x3FB1] =	sst s3  }
0xc: {  	[smem:$0x3FB2] =	sst s4  }
0xd: {  	[smem:$0x3FB3] =	sst s5  }
0xe: {  	[smem:$0x3FB4] =	sst s6  }
0xf: {  	[smem:$0x3FB5] =	sst s7  }
0x10: {  	[smem:$0x3FB6] =	sst s8  }
0x11: {  	[smem:$0x3FB7] =	sst s9;
	s0 =	simm.s32 @!p0 $0x0  }
0x12: {  	s1 =	sld [smem:$0x3F9D];
	s0 =	simm.s32 @p0 $0x1  }
0x13: {  	[smem:$0x3FB8] =	sst s0;
	s0 =	simm.s32 @!p1 $0x0  }
0x14: {  	s2 =	sld [smem:$0x3F9C];
	s0 =	simm.s32 @p1 $0x1  }
0x15: {  	[smem:$0x3FB9] =	sst s0;
	s0 =	simm.s32 @!p2 $0x0  }
0x16: {  	s3 =	sld [smem:$0x3FDB];
	s0 =	simm.s32 @p2 $0x1  }
0x17: {  	s4 =	simm.s32 $0x1BF5;
	[smem:$0x3FBB] =	sst s0  }
0x18: {  	s0 =	sld [smem:$0x3F9E];
	_ =	swait.ge [sflag:s4], $0x0  }
0x19: {  	s7 =	sld [smem:$0x3F9F]  }
0x1a: {  	s8 =	sadd.s32 $0xFFFFE003, lr  }
0x1b: {  	s9 =	sadd.s32 $0xFFFFFEF7, lr;
	s5 =	simm.s32 $0xFFFFFFFF;
	p2 =	slt.u32 s8, $0xFFFFF086  }
0x1c: {  	p1 =	slt.u32 s9, $0xF7A;
	s5 =	simm.s32 @!p2 $0x0  }
0x1d: {  	s5 =	simm.s32 @p1 $0x1;
	p0 =	seq.s32 s7, s2  }
0x1e: {  	s7 =	smul.u32 @!p0 $0xF7A, s2;
	p2 =	seq.s32 @!p0 s5, $0x0  }
0x1f: {  	s9 =	smul.u32 $0xF7A, s1;
	s8 =	simm.s32 @!p0 $0x1BF5;
	p2 =	por !p2, p0  }
0x20: {  	[sflag:s8] =	ssyncset.s32 @!p0 $0xFFFFF086;
	s6 =	sadd.s32 @!p0 s3, s7;
	s7 =	simm.s32 @!p0 $0x108  }
0x21: {  	s3 =	sadd.s32 s3, s9;
	s6 =	sadd.s32 @!p0 $0x88, s6;
	s7 =	simm.s32 @p2 $0x1082  }
0x22: {  	[simem:s7], [sflag:s8] =	dma.local @!p0 [hbm:s6], $0xF7A  }
0x23: {  	s9 =	sor.u32 $0xD0000000, s2;
	s6 =	simm.s32 $0x108;
	_ =	swait.ge @!p0 [sflag:s8], $0x0  }
0x24: {  	s3 =	sadd.s32 $0x88, s3;
	s6 =	simm.s32 @!p1 $0x1082;
	[sflag:s4] =	ssyncset.s32 $0xFFFFF086  }
0x25: {  	[simem:s6], [sflag:s4] =	dma.local [hbm:s3], $0xF7A  }
0x26: {  	[smem:$0x3F9F] =	sst s1;
	(tag) =	ssettag s2;
	_ =	strace s9  }
0x27: {  	s1 =	sld [smem:$0x3FAF]  }
0x28: {  	s2 =	sld [smem:$0x3FB0]  }
0x29: {  	s4 =	sld [smem:$0x3FB2]  }
0x2a: {  	p0 =	seq.s32 s5, $0x0;
	s5 =	sld [smem:$0x3FB3]  }
0x2b: {  	s6 =	sld [smem:$0x3FB4]  }
0x2c: {  	s7 =	sld [smem:$0x3FB5]  }
0x2d: {  	s3 =	simm.s32 $0x108;
	s8 =	sld [smem:$0x3FB6]  }
0x2e: {  	s3 =	simm.s32 @!p0 $0x1082;
	s9 =	sld [smem:$0x3FB7]  }
0x2f: {  	lr =	sadd.s32 s0, s3;
	s0 =	sld [smem:$0x3FAE]  }
0x30: {  	s3 =	sld [smem:$0x3FB1]  }
0x31: {  	[smem:$0x3FBA] =	sst s10  }
0x32: {  	s10 =	sld [smem:$0x3FB8];
	_ =	sdelay $0x3  }
0x33: {  	p0 =	seq.s32 s10, $0x1;
	s10 =	sld [smem:$0x3FBA];
	_ =	sdelay $0x3  }
0x34: {  	[smem:$0x3FBA] =	sst s10  }
0x35: {  	s10 =	sld [smem:$0x3FB9];
	_ =	sdelay $0x3  }
0x36: {  	p1 =	seq.s32 s10, $0x1;
	s10 =	sld [smem:$0x3FBA];
	_ =	sdelay $0x3  }
0x37: {  	[smem:$0x3FBA] =	sst s10  }
0x38: {  	s10 =	sld [smem:$0x3FBB]  }
0x39: {  	_ = 	snop;
	(pc) =	sbr.ind lr, $3  }
0x3a: {  	_ = 	snop  }
0x3b: {  	_ = 	snop  }
0x3c: {  	p2 =	seq.s32 s10, $0x1;
	s10 =	sld [smem:$0x3FBA]  }
0x3d: {  	_ =	shalt  }
0x3e: {  	_ =	shalt  }
0x3f: {  	_ =	shalt  }
0x40: {  	_ =	shalt  }
0x41: {  	_ =	shalt  }
0x42: {  	_ =	shalt  }
0x43: {  	_ =	shalt  }
0x44: {  	_ =	shalt  }
0x45: {  	_ =	shalt  }
0x46: {  	_ =	shalt  }
0x47: {  	_ =	shalt  }
0x48: {  	_ =	shalt  }
0x49: {  	_ =	shalt  }
0x4a: {  	_ =	shalt  }
0x4b: {  	_ =	shalt  }
0x4c: {  	_ =	shalt  }
0x4d: {  	_ =	shalt  }
0x4e: {  	_ =	shalt  }
0x4f: {  	_ =	shalt  }
0x50: {  	_ =	shalt  }
0x51: {  	_ =	shalt  }
0x52: {  	_ =	shalt  }
0x53: {  	_ =	shalt  }
0x54: {  	_ =	shalt  }
0x55: {  	_ =	shalt  }
0x56: {  	_ =	shalt  }
0x57: {  	_ =	shalt  }
0x58: {  	_ =	shalt  }
0x59: {  	_ =	shalt  }
0x5a: {  	_ =	shalt  }
0x5b: {  	_ =	shalt  }
0x5c: {  	_ =	shalt  }
0x5d: {  	_ =	shalt  }
0x5e: {  	_ =	shalt  }
0x5f: {  	_ =	shalt  }
0x60: {  	_ =	shalt  }
0x61: {  	_ =	shalt  }
0x62: {  	_ =	shalt  }
0x63: {  	_ =	shalt  }
0x64: {  	_ =	shalt  }
0x65: {  	_ =	shalt  }
0x66: {  	_ =	shalt  }
0x67: {  	_ =	shalt  }
0x68: {  	_ =	shalt  }
0x69: {  	_ =	shalt  }
0x6a: {  	_ =	shalt  }
0x6b: {  	_ =	shalt  }
0x6c: {  	_ =	shalt  }
0x6d: {  	_ =	shalt  }
0x6e: {  	_ =	shalt  }
0x6f: {  	_ =	shalt  }
0x70: {  	_ =	shalt  }
0x71: {  	_ =	shalt  }
0x72: {  	_ =	shalt  }
0x73: {  	_ =	shalt  }
0x74: {  	_ =	shalt  }
0x75: {  	_ =	shalt  }
0x76: {  	_ =	shalt  }
0x77: {  	_ =	shalt  }
0x78: {  	_ =	shalt  }
0x79: {  	_ =	shalt  }
0x7a: {  	_ =	shalt  }
0x7b: {  	_ =	shalt  }
0x7c: {  	_ =	shalt  }
0x7d: {  	_ =	shalt  }
0x7e: {  	_ =	shalt  }
0x7f: {  	_ =	shalt  }
0x80: {  	_ =	shalt  }
0x81: {  	_ =	shalt  }
0x82: {  	_ =	shalt  }
0x83: {  	_ =	shalt  }
0x84: {  	_ =	shalt  }
0x85: {  	_ =	shalt  }
0x86: {  	_ =	shalt  }
0x87: {  	_ =	shalt  }
.Lfunc_end0:
.L_simem_size_0:
called_computation.1_lowered:
.L_overlay_start_0:
0x88: {  	s2 =	sld [smem:$0x3FD9]  }
0x89: {  	s3 =	sld [smem:$0x3FFE];
	_ =	sdelay $0x1  }
0x8a: {  	s1 =	srdreg.scid  }
0x8b: {  	s0 =	sand.u32 $0x1, s1  }
0x8c: {  	s17 =	sshll.u32 s0, $0xA;
	s2 =	sadd.s32 s3, s2  }
0x8d: {  	s2 =	sadd.s32 s2, s17  }
0x8e: {  	[smem:$0x3FC6] =	sst s2  }
0x8f: {  	_ = 	snop  }
0x90: {  	s2 =	sld [smem:$0x3FD0];
	(tm) =	ssettm $0x1  }
0x91: {  	s18 =	sld [smem:$0x3FFB];
	_ =	sdelay $0x3  }
0x92: {  	_ =	strace s18  }
0x93: {  	s3 =	sld [smem:$0x3FFC];
	_ =	sdelay $0x3  }
0x94: {  	_ =	strace s3  }
0x95: {  	s3 =	sld [smem:$0x3FFD];
	_ =	sdelay $0x3  }
0x96: {  	_ =	strace s3  }
0x97: {  	_ =	strace $0x8FFFFFFF  }
0x98: {  	s19 =	sld [smem:$0x3FDB];
	_ =	sdelay $0x1  }
0x99: {  	s4 =	simm.s32 $_scs_section_size  }
0x9a: {  	s5 =	simm.s32 $_size__tile_overlayer_lowered;
	s6 =	simm.s32 $_tile_overlayer_lowered  }
0x9b: {  	s22 =	simm.s32 $0x1BFF;
	s21 =	sshll.u32 s6, $0x1;
	s3 =	sadd.s32 s4, s19  }
0x9c: {  	s7 =	simm.s32 $0x0;
	s20 =	sshll.u32 s5, $0x1;
	s5 =	sadd.s32 s21, s3  }
0x9d: {  	[timem:s7], [sflag:s22] =	dma.local [hbm:s5], s20  }
0x9e: {  	_ =	swait.ge [sflag:s22], s20  }
0x9f: {  	s4 =	ssub.s32 $0x0, s20;
	[sflag:s22] =	ssyncset.done $0x0  }
0xa0: {  	[sflag:s22] =	ssyncadd.s32 s4;
	_ =	sdelay $0x1  }
0xa1: {  	s23 =	simm.s32 $0x1B8B  }
0xa2: {  	_ =	swait.ge [sflag:s23], $0x1  }
0xa3: {  	[sflag:s23] =	ssyncset.done $0x0  }
0xa4: {  	s25 =	simm.s32 $0x1B8E;
	s24 =	sld [smem:$0x3FFE];
	[sflag:s23] =	ssyncadd.s32 $0xFFFFFFFF  }
0xa5: {  	s26 =	simm.s32 $execute0_lowered;
	[smem:$0x3FD2] =	sst s25  }
0xa6: {  	s5 =	sshll.u32 s26, $0x1;
	_ =	strace $0x80000049;
	[dreg:$0x1] =	wrdreg $0xFFFFFFFF  }
0xa7: {  	s28 =	simm.s32 $_size_execute0_lowered;
	s3 =	sadd.s32 s3, s5;
	[dreg:$0x0] =	wrdreg $0x0  }
0xa8: {  	s5 =	sshll.u32 s28, $0x1;
	[dreg:$0x2] =	wrdreg s3  }
0xa9: {  	[dreg:$0x3] =	wrdreg s5  }
0xaa: {  	[dreg:$0x4] =	wrdreg $0xC0  }
0xab: {  	_ =	task [dreg:s7], $0x5FFFF  }
0xac: {  	[dreg:$0x1] =	wrdreg $0xFFFFFFFF  }
0xad: {  	[dreg:$0x0] =	wrdreg $0x60  }
0xae: {  	[dreg:$0x2] =	wrdreg s24  }
0xaf: {  	[dreg:$0x3] =	wrdreg s2  }
0xb0: {  	[dreg:$0x4] =	wrdreg $0x9  }
0xb1: {  	_ =	task.clear_ibuf [dreg:s7], $0x5FFFF;
	_ =	strace $0x90000049  }
0xb2: {  	s29 =	simm.s32 $0x9;
	_ =	strace $0x8000004B  }
0xb3: {  	_ =	swait.ge [sflag:s29], $0x1  }
0xb4: {  	[sflag:s29] =	ssyncadd.s32 $0xFFFFFFFF  }
0xb5: {  	_ =	strace $0x9000004B  }
0xb6: {  	_ =	sfence  }
0xb7: {  	s30 =	sld [smem:$0x0];
	_ =	sdelay $0x2  }
0xb8: {  	s31 =	sshll.u32 s1, $0xD;
	s1 =	sshrl.u32 s1, $0x2  }
0xb9: {  	s3 =	sand.u32 $0x4000, s31;
	s1 =	sadd.s32 s1, s30  }
0xba: {  	s0 =	sor.u32 s3, s0;
	s1 =	sshll.u32 s1, $0x11  }
0xbb: {  	s0 =	sor.u32 s1, s0  }
0xbc: {  	s0 =	sadd.s32 $0x8F2B, s0  }
0xbd: {  	[sflag:s0] =	ssyncadd.remote.s32 $0x1  }
0xbe: {  	_ =	sfence.sel $0xFFFF  }
0xbf: {  	[dreg:$0x0] =	wrdreg $0xFFFFFFFF;
	(pc) =	sbr.abs _section_cstart, $3  }
0xc0: {  	[dreg:$0x1] =	wrdreg $0xFFFFFFFF  }
0xc1: {  	_ =	task.clear_ibuf [dreg:s7], $0x2FFFF;
	_ =	strace $0x9FFFFFFF  }
0xc2: {  	(tm) =	ssettm $0x7FFFFFFF  }
0xc3: {  	_ =	shalt  }
tec
execute0_lowered:
.L_overlay_start_1:
0x0: {  	(tag) =	ssettag $0x1  }
0x1: {  	s4 =	rddreg [dreg:$0x0]  }
0x2: {  	s2 =	rddreg [dreg:$0x1]  }
0x3: {  	s0 =	rddreg [dreg:$0x2];
	s3 =	simm.s32 $0x0;
	s5 =	srdreg.scid  }
0x4: {  	s1 =	stileid.u32;
	s15 =	simm.s32 $0x3;
	s16 =	simm.s32 $0x4000  }
0x5: {  	s17 =	simm.s32 $0x1;
	s18 =	simm.s32 $0x8000;
	s19 =	simm.s32 $0x2  }
0x6: {  	s20 =	simm.s32 $0x80;
	s21 =	simm.s32 $0x400;
	s22 =	simm.s32 $0x0  }
0x7: {  	[smem:$0x7FF] =	sst s3;
	s5 =	sand.u32 $0x1, s5;
	s6 =	sshll.u32 s1, $0x1  }
0x8: {  	s8 =	sshll.u32 s1, $0xE;
	_ =	strace $0x8000004A;
	s7 =	sor.u32 s5, s6  }
0x9: {  	s5 =	ssub.s32 $0x2, s5;
	s30 =	sand.u32 $0x30000, s8;
	s6 =	sshll.u32 s7, $0xE  }
0xa: {  	s31 =	sshrl.u32 s5, $0x1;
	s12 =	sadd.s32 s30, s4;
	s9 =	sshll.u32 s7, $0x4  }
0xb: {  	s11 =	sadd.s32 s6, s4;
	s13 =	ssub.s32 s5, s31;
	s14 =	sand.u32 $0x70, s9  }
0xc: {  	s4 =	sadd.s32 $0x82000, s11;
	s5 =	sadd.s32 $0x82800, s11;
	s6 =	sadd.s32 $0x83000, s11  }
0xd: {  	s7 =	sadd.s32 $0x83800, s11;
	s8 =	sadd.s32 $0x84000, s11;
	s9 =	sadd.s32 $0x84800, s11  }
0xe: {  	s10 =	sadd.s32 $0x85000, s11;
	s12 =	sadd.s32 s14, s12;
	s11 =	sadd.s32 $0x85800, s11  }
0xf: {  	v0 =	vimm.s32 $0x0;
	v1 =	vimm.s32 $0x1;
	s13 =	smax.u32 s13, $0x1;
	s14 =	simm.s32 $0x18000;
	s12 =	sadd.s32 $0x102200, s12  }
.LBB2_1:
0x10: {  	[tilespmem:s14], [sflag:$0x3] =	stream.linear.gather [hbm4b:s2+s3], $0x80, $0x38;
	[tilespmem:$0x18080] =	vst v63  }
0x11: {  	_ =	swait.ge [sflag:s15], $0x80  }
0x12: {  	[sflag:s15] =	ssyncset.done $0x0  }
0x13: {  	s23 =	simm.s32 $0x8040;
	[sflag:s15] =	ssyncadd.s32 $0xFFFFFF80  }
0x14: {  	v2 =	vld [tilespmem:$0x18000];
	[tilespmem:s23+$0xFFFFFFC0] =	vst v0  }
0x15: {  	[tilespmem:s23+$0x30] =	vst v0  }
0x16: {  	[tilespmem:s23+$0x20] =	vst v0  }
0x17: {  	[tilespmem:s23+$0x10] =	vst v0  }
0x18: {  	[tilespmem:s23+$0x0] =	vst v0  }
0x19: {  	[tilespmem:s23+$0xFFFFFFF0] =	vst v0  }
0x1a: {  	s24 =	simm.s32 $0x0;
	[tilespmem:s23+$0xFFFFFFE0] =	vst v0  }
.LBB2_2:
0x1b: {  	s24 =	sadd.s32 $0x8, s24;
	[tilespmem:s23+$0xFFFFFFD0] =	vst v0;
	s23 =	sadd.s32 $0x80, s23  }
0x1c: {  	[tilespmem:s23+$0xFFFFFFC0] =	vst v0;
	p0 =	slt.u32 s24, $0xFF8  }
0x1d: {  	[tilespmem:s23+$0x30] =	vst v0  }
.Ltmp0:
0x1e: {  	[tilespmem:s23+$0x20] =	vst v0;
	(pc) =	sbr.rel @p0 .LBB2_2-.Ltmp0, $4  }
0x1f: {  	[tilespmem:s23+$0x10] =	vst v0  }
0x20: {  	[tilespmem:s23+$0x0] =	vst v0  }
0x21: {  	[tilespmem:s23+$0xFFFFFFF0] =	vst v0  }
0x22: {  	[tilespmem:s23+$0xFFFFFFE0] =	vst v0  }
0x23: {  	[tilespmem:s23+$0xFFFFFFD0] =	vst v0  }
0x24: {  	[tilespmem:s3], [sflag:$0x1] =	stream.linear.gather [hbm4b:s4+s3], $0x4000, $0x38;
	[tilespmem:$0x18080] =	vst v63  }
0x25: {  	_ = 	snop  }
0x26: {  	[tilespmem:s16], [sflag:$0x2] =	stream.linear.gather [hbm4b:s5+s3], $0x4000, $0x38;
	[tilespmem:$0x18080] =	vst v63  }
0x27: {  	_ =	swait.ge [sflag:s17], $0x4000  }
0x28: {  	[sflag:s17] =	ssyncset.done $0x0  }
0x29: {  	s31 =	simm.s32 $0x40;
	[sflag:s17] =	ssyncadd.s32 $0xFFFFC000  }
0x2a: {  	v3 =	vld [tilespmem:s31+$0x30]  }
0x2b: {  	v4 =	vld [tilespmem:s31+$0xFFFFFFD0]  }
0x2c: {  	v5 =	vld [tilespmem:s31+$0xFFFFFFE0]  }
0x2d: {  	v6 =	vld [tilespmem:s31+$0xFFFFFFF0];
	_ =	sdelay $0x1  }
0x2e: {  	v7 =	vshra.s32 v3, $0x10  }
0x2f: {  	v8 =	vld [tilespmem:s31+$0x0];
	v9 =	vshra.s32 v4, $0x10;
	vm1 =	veq.s32 v7, v2  }
0x30: {  	v62 =	vshra.s32 v5, $0x10;
	v3 =	vand.u32 $0xFFFF, v3;
	v7 =	vld [tilespmem:s31+$0x10];
	vm2 =	veq.s32 v9, v2  }
0x31: {  	v63 =	vld [tilespmem:s31+$0xFFFFFFC0];
	v10 =	vand.u32 $0xFFFF, v4;
	v4 =	vshra.s32 v6, $0x10;
	vm3 =	veq.s32 v62, v2  }
0x32: {  	v11 =	vld [tilespmem:s31+$0x20];
	v5 =	vand.u32 $0xFFFF, v5;
	vm4 =	veq.s32 v4, v2  }
0x33: {  	v12 =	vand.u32 $0xFFFF, v6  }
0x34: {  	v4 =	vshra.s32 v8, $0x10  }
0x35: {  	vm0 =	veq.s32 v4, v2;
	v4 =	vshra.s32 v7, $0x10;
	[tilespmem:v3+s18+$0x0] =	vst.idx.add.s32.msk vm1, v1  }
0x36: {  	v6 =	vand.u32 $0xFFFF, v63;
	v3 =	vand.u32 $0xFFFF, v8;
	vm1 =	veq.s32 v4, v2;
	[tilespmem:v10+s18+$0x0] =	vst.idx.add.s32.msk vm2, v1  }
0x37: {  	v4 =	vand.u32 $0xFFFF, v7;
	v7 =	vshra.s32 v11, $0x10;
	v8 =	vshra.s32 v63, $0x10;
	[tilespmem:v5+s18+$0x0] =	vst.idx.add.s32.msk vm3, v1  }
0x38: {  	s23 =	simm.s32 $0x0;
	s24 =	simm.s32 $0xC0;
	v5 =	vand.u32 $0xFFFF, v11;
	[tilespmem:v12+s18+$0x0] =	vst.idx.add.s32.msk vm4, v1;
	vm2 =	veq.s32 v7, v2;
	vm3 =	veq.s32 v8, v2  }
.LBB2_4:
0x39: {  	v7 =	vld [tilespmem:s24+$0x30];
	s23 =	sadd.s32 $0x8, s23  }
0x3a: {  	v8 =	vld [tilespmem:s24+$0xFFFFFFD0];
	p0 =	slt.u32 s23, $0x3F8  }
0x3b: {  	v9 =	vld [tilespmem:s24+$0xFFFFFFE0]  }
0x3c: {  	v10 =	vld [tilespmem:s24+$0xFFFFFFF0]  }
0x3d: {  	v11 =	vld [tilespmem:s24+$0x0]  }
0x3e: {  	v12 =	vld [tilespmem:s24+$0x10];
	v13 =	vshra.s32 v7, $0x10  }
0x3f: {  	v14 =	vshra.s32 v8, $0x10;
	v8 =	vand.u32 $0xFFFF, v8;
	v15 =	vld [tilespmem:s24+$0x20];
	vm4 =	veq.s32 v13, v2  }
0x40: {  	v7 =	vand.u32 $0xFFFF, v7;
	v13 =	vld [tilespmem:s24+$0xFFFFFFC0];
	vm5 =	veq.s32 v14, v2;
	v14 =	vshra.s32 v9, $0x10  }
0x41: {  	v9 =	vand.u32 $0xFFFF, v9;
	vm6 =	veq.s32 v14, v2;
	v14 =	vshra.s32 v10, $0x10;
	[tilespmem:v6+s18+$0x0] =	vst.idx.add.s32.msk vm3, v1  }
0x42: {  	v10 =	vand.u32 $0xFFFF, v10;
	vm7 =	veq.s32 v14, v2;
	v6 =	vshra.s32 v11, $0x10;
	[tilespmem:v3+s18+$0x0] =	vst.idx.add.s32.msk vm0, v1  }
0x43: {  	v3 =	vand.u32 $0xFFFF, v11;
	vm0 =	veq.s32 v6, v2;
	v6 =	vshra.s32 v12, $0x10;
	[tilespmem:v4+s18+$0x0] =	vst.idx.add.s32.msk vm1, v1  }
.Ltmp1:
0x44: {  	v4 =	vand.u32 $0xFFFF, v12;
	vm1 =	veq.s32 v6, v2;
	v11 =	vshra.s32 v15, $0x10;
	[tilespmem:v5+s18+$0x0] =	vst.idx.add.s32.msk vm2, v1;
	(pc) =	sbr.rel @p0 .LBB2_4-.Ltmp1, $4  }
0x45: {  	v5 =	vshra.s32 v13, $0x10;
	v6 =	vand.u32 $0xFFFF, v13;
	vm2 =	veq.s32 v11, v2;
	[tilespmem:v7+s18+$0x0] =	vst.idx.add.s32.msk vm4, v1  }
0x46: {  	vm3 =	veq.s32 v5, v2;
	[tilespmem:v8+s18+$0x0] =	vst.idx.add.s32.msk vm5, v1;
	v5 =	vand.u32 $0xFFFF, v15  }
0x47: {  	[tilespmem:v9+s18+$0x0] =	vst.idx.add.s32.msk vm6, v1  }
0x48: {  	s24 =	sadd.s32 $0x80, s24;
	[tilespmem:v10+s18+$0x0] =	vst.idx.add.s32.msk vm7, v1  }
0x49: {  	_ =	sdelay $0x4  }
0x4a: {  	[tilespmem:v6+s18+$0x0] =	vst.idx.add.s32.msk vm3, v1  }
0x4b: {  	[tilespmem:v3+s18+$0x0] =	vst.idx.add.s32.msk vm0, v1  }
0x4c: {  	[tilespmem:v4+s18+$0x0] =	vst.idx.add.s32.msk vm1, v1  }
0x4d: {  	[tilespmem:v5+s18+$0x0] =	vst.idx.add.s32.msk vm2, v1  }
0x4e: {  	[tilespmem:s3], [sflag:$0x1] =	stream.linear.gather [hbm4b:s6+s3], $0x4000, $0x38;
	[tilespmem:$0x18080] =	vst v63  }
0x4f: {  	_ =	swait.ge [sflag:s19], $0x4000  }
0x50: {  	[sflag:s19] =	ssyncset.done $0x0  }
0x51: {  	s23 =	simm.s32 $0x4040;
	[sflag:s19] =	ssyncadd.s32 $0xFFFFC000  }
0x52: {  	v3 =	vld [tilespmem:s23+$0x30]  }
0x53: {  	v4 =	vld [tilespmem:s23+$0xFFFFFFD0]  }
0x54: {  	v5 =	vld [tilespmem:s23+$0xFFFFFFE0]  }
0x55: {  	v6 =	vld [tilespmem:s23+$0xFFFFFFF0];
	_ =	sdelay $0x1  }
0x56: {  	v7 =	vshra.s32 v3, $0x10  }
0x57: {  	v8 =	vld [tilespmem:s23+$0x0];
	v9 =	vshra.s32 v4, $0x10;
	vm1 =	veq.s32 v7, v2  }
0x58: {  	v62 =	vshra.s32 v5, $0x10;
	v3 =	vand.u32 $0xFFFF, v3;
	v7 =	vld [tilespmem:s23+$0x10];
	vm2 =	veq.s32 v9, v2  }
0x59: {  	v63 =	vld [tilespmem:s23+$0xFFFFFFC0];
	v10 =	vand.u32 $0xFFFF, v4;
	v4 =	vshra.s32 v6, $0x10;
	vm3 =	veq.s32 v62, v2  }
0x5a: {  	v11 =	vld [tilespmem:s23+$0x20];
	v5 =	vand.u32 $0xFFFF, v5;
	vm4 =	veq.s32 v4, v2  }
0x5b: {  	v12 =	vand.u32 $0xFFFF, v6  }
0x5c: {  	v4 =	vshra.s32 v8, $0x10  }
0x5d: {  	vm0 =	veq.s32 v4, v2;
	v4 =	vshra.s32 v7, $0x10;
	[tilespmem:v3+s18+$0x0] =	vst.idx.add.s32.msk vm1, v1  }
0x5e: {  	v6 =	vand.u32 $0xFFFF, v63;
	v3 =	vand.u32 $0xFFFF, v8;
	vm1 =	veq.s32 v4, v2;
	[tilespmem:v10+s18+$0x0] =	vst.idx.add.s32.msk vm2, v1  }
0x5f: {  	v4 =	vand.u32 $0xFFFF, v7;
	v7 =	vshra.s32 v11, $0x10;
	v8 =	vshra.s32 v63, $0x10;
	[tilespmem:v5+s18+$0x0] =	vst.idx.add.s32.msk vm3, v1  }
0x60: {  	s24 =	simm.s32 $0x40C0;
	s23 =	simm.s32 $0x0;
	v5 =	vand.u32 $0xFFFF, v11;
	[tilespmem:v12+s18+$0x0] =	vst.idx.add.s32.msk vm4, v1;
	vm2 =	veq.s32 v7, v2;
	vm3 =	veq.s32 v8, v2  }
.LBB2_6:
0x61: {  	v7 =	vld [tilespmem:s24+$0x30];
	s23 =	sadd.s32 $0x8, s23  }
0x62: {  	v8 =	vld [tilespmem:s24+$0xFFFFFFD0];
	p0 =	slt.u32 s23, $0x3F8  }
0x63: {  	v9 =	vld [tilespmem:s24+$0xFFFFFFE0]  }
0x64: {  	v10 =	vld [tilespmem:s24+$0xFFFFFFF0]  }
0x65: {  	v11 =	vld [tilespmem:s24+$0x0]  }
0x66: {  	v12 =	vld [tilespmem:s24+$0x10];
	v13 =	vshra.s32 v7, $0x10  }
0x67: {  	v14 =	vshra.s32 v8, $0x10;
	v8 =	vand.u32 $0xFFFF, v8;
	v15 =	vld [tilespmem:s24+$0x20];
	vm4 =	veq.s32 v13, v2  }
0x68: {  	v7 =	vand.u32 $0xFFFF, v7;
	v13 =	vld [tilespmem:s24+$0xFFFFFFC0];
	vm5 =	veq.s32 v14, v2;
	v14 =	vshra.s32 v9, $0x10  }
0x69: {  	v9 =	vand.u32 $0xFFFF, v9;
	vm6 =	veq.s32 v14, v2;
	v14 =	vshra.s32 v10, $0x10;
	[tilespmem:v6+s18+$0x0] =	vst.idx.add.s32.msk vm3, v1  }
0x6a: {  	v10 =	vand.u32 $0xFFFF, v10;
	vm7 =	veq.s32 v14, v2;
	v6 =	vshra.s32 v11, $0x10;
	[tilespmem:v3+s18+$0x0] =	vst.idx.add.s32.msk vm0, v1  }
0x6b: {  	v3 =	vand.u32 $0xFFFF, v11;
	vm0 =	veq.s32 v6, v2;
	v6 =	vshra.s32 v12, $0x10;
	[tilespmem:v4+s18+$0x0] =	vst.idx.add.s32.msk vm1, v1  }
.Ltmp2:
0x6c: {  	v4 =	vand.u32 $0xFFFF, v12;
	vm1 =	veq.s32 v6, v2;
	v11 =	vshra.s32 v15, $0x10;
	[tilespmem:v5+s18+$0x0] =	vst.idx.add.s32.msk vm2, v1;
	(pc) =	sbr.rel @p0 .LBB2_6-.Ltmp2, $4  }
0x6d: {  	v5 =	vshra.s32 v13, $0x10;
	v6 =	vand.u32 $0xFFFF, v13;
	vm2 =	veq.s32 v11, v2;
	[tilespmem:v7+s18+$0x0] =	vst.idx.add.s32.msk vm4, v1  }
0x6e: {  	vm3 =	veq.s32 v5, v2;
	[tilespmem:v8+s18+$0x0] =	vst.idx.add.s32.msk vm5, v1;
	v5 =	vand.u32 $0xFFFF, v15  }
0x6f: {  	[tilespmem:v9+s18+$0x0] =	vst.idx.add.s32.msk vm6, v1  }
0x70: {  	s24 =	sadd.s32 $0x80, s24;
	[tilespmem:v10+s18+$0x0] =	vst.idx.add.s32.msk vm7, v1  }
0x71: {  	_ =	sdelay $0x4  }
0x72: {  	[tilespmem:v6+s18+$0x0] =	vst.idx.add.s32.msk vm3, v1  }
0x73: {  	[tilespmem:v3+s18+$0x0] =	vst.idx.add.s32.msk vm0, v1  }
0x74: {  	[tilespmem:v4+s18+$0x0] =	vst.idx.add.s32.msk vm1, v1  }
0x75: {  	[tilespmem:v5+s18+$0x0] =	vst.idx.add.s32.msk vm2, v1  }
0x76: {  	[tilespmem:s16], [sflag:$0x2] =	stream.linear.gather [hbm4b:s7+s3], $0x4000, $0x38;
	[tilespmem:$0x18080] =	vst v63  }
0x77: {  	_ =	swait.ge [sflag:s17], $0x4000  }
0x78: {  	[sflag:s17] =	ssyncset.done $0x0  }
0x79: {  	s23 =	simm.s32 $0x40;
	[sflag:s17] =	ssyncadd.s32 $0xFFFFC000  }
0x7a: {  	v3 =	vld [tilespmem:s23+$0x30]  }
0x7b: {  	v4 =	vld [tilespmem:s23+$0xFFFFFFD0]  }
0x7c: {  	v5 =	vld [tilespmem:s23+$0xFFFFFFE0]  }
0x7d: {  	v6 =	vld [tilespmem:s23+$0xFFFFFFF0];
	_ =	sdelay $0x1  }
0x7e: {  	v7 =	vshra.s32 v3, $0x10  }
0x7f: {  	v8 =	vld [tilespmem:s23+$0x0];
	v9 =	vshra.s32 v4, $0x10;
	vm1 =	veq.s32 v7, v2  }
0x80: {  	v62 =	vshra.s32 v5, $0x10;
	v3 =	vand.u32 $0xFFFF, v3;
	v7 =	vld [tilespmem:s23+$0x10];
	vm2 =	veq.s32 v9, v2  }
0x81: {  	v63 =	vld [tilespmem:s23+$0xFFFFFFC0];
	v10 =	vand.u32 $0xFFFF, v4;
	v4 =	vshra.s32 v6, $0x10;
	vm3 =	veq.s32 v62, v2  }
0x82: {  	v11 =	vld [tilespmem:s23+$0x20];
	v5 =	vand.u32 $0xFFFF, v5;
	vm4 =	veq.s32 v4, v2  }
0x83: {  	v12 =	vand.u32 $0xFFFF, v6  }
0x84: {  	v4 =	vshra.s32 v8, $0x10  }
0x85: {  	vm0 =	veq.s32 v4, v2;
	v4 =	vshra.s32 v7, $0x10;
	[tilespmem:v3+s18+$0x0] =	vst.idx.add.s32.msk vm1, v1  }
0x86: {  	v6 =	vand.u32 $0xFFFF, v63;
	v3 =	vand.u32 $0xFFFF, v8;
	vm1 =	veq.s32 v4, v2;
	[tilespmem:v10+s18+$0x0] =	vst.idx.add.s32.msk vm2, v1  }
0x87: {  	v4 =	vand.u32 $0xFFFF, v7;
	v7 =	vshra.s32 v11, $0x10;
	v8 =	vshra.s32 v63, $0x10;
	[tilespmem:v5+s18+$0x0] =	vst.idx.add.s32.msk vm3, v1  }
0x88: {  	s24 =	simm.s32 $0xC0;
	s23 =	simm.s32 $0x0;
	v5 =	vand.u32 $0xFFFF, v11;
	[tilespmem:v12+s18+$0x0] =	vst.idx.add.s32.msk vm4, v1;
	vm2 =	veq.s32 v7, v2;
	vm3 =	veq.s32 v8, v2  }
.LBB2_8:
0x89: {  	v7 =	vld [tilespmem:s24+$0x30];
	s23 =	sadd.s32 $0x8, s23  }
0x8a: {  	v8 =	vld [tilespmem:s24+$0xFFFFFFD0];
	p0 =	slt.u32 s23, $0x3F8  }
0x8b: {  	v9 =	vld [tilespmem:s24+$0xFFFFFFE0]  }
0x8c: {  	v10 =	vld [tilespmem:s24+$0xFFFFFFF0]  }
0x8d: {  	v11 =	vld [tilespmem:s24+$0x0]  }
0x8e: {  	v12 =	vld [tilespmem:s24+$0x10];
	v13 =	vshra.s32 v7, $0x10  }
0x8f: {  	v14 =	vshra.s32 v8, $0x10;
	v8 =	vand.u32 $0xFFFF, v8;
	v15 =	vld [tilespmem:s24+$0x20];
	vm4 =	veq.s32 v13, v2  }
0x90: {  	v7 =	vand.u32 $0xFFFF, v7;
	v13 =	vld [tilespmem:s24+$0xFFFFFFC0];
	vm5 =	veq.s32 v14, v2;
	v14 =	vshra.s32 v9, $0x10  }
0x91: {  	v9 =	vand.u32 $0xFFFF, v9;
	vm6 =	veq.s32 v14, v2;
	v14 =	vshra.s32 v10, $0x10;
	[tilespmem:v6+s18+$0x0] =	vst.idx.add.s32.msk vm3, v1  }
0x92: {  	v10 =	vand.u32 $0xFFFF, v10;
	vm7 =	veq.s32 v14, v2;
	v6 =	vshra.s32 v11, $0x10;
	[tilespmem:v3+s18+$0x0] =	vst.idx.add.s32.msk vm0, v1  }
0x93: {  	v3 =	vand.u32 $0xFFFF, v11;
	vm0 =	veq.s32 v6, v2;
	v6 =	vshra.s32 v12, $0x10;
	[tilespmem:v4+s18+$0x0] =	vst.idx.add.s32.msk vm1, v1  }
.Ltmp3:
0x94: {  	v4 =	vand.u32 $0xFFFF, v12;
	vm1 =	veq.s32 v6, v2;
	v11 =	vshra.s32 v15, $0x10;
	[tilespmem:v5+s18+$0x0] =	vst.idx.add.s32.msk vm2, v1;
	(pc) =	sbr.rel @p0 .LBB2_8-.Ltmp3, $4  }
0x95: {  	v5 =	vshra.s32 v13, $0x10;
	v6 =	vand.u32 $0xFFFF, v13;
	vm2 =	veq.s32 v11, v2;
	[tilespmem:v7+s18+$0x0] =	vst.idx.add.s32.msk vm4, v1  }
0x96: {  	vm3 =	veq.s32 v5, v2;
	[tilespmem:v8+s18+$0x0] =	vst.idx.add.s32.msk vm5, v1;
	v5 =	vand.u32 $0xFFFF, v15  }
0x97: {  	[tilespmem:v9+s18+$0x0] =	vst.idx.add.s32.msk vm6, v1  }
0x98: {  	s24 =	sadd.s32 $0x80, s24;
	[tilespmem:v10+s18+$0x0] =	vst.idx.add.s32.msk vm7, v1  }
0x99: {  	_ =	sdelay $0x4  }
0x9a: {  	[tilespmem:v6+s18+$0x0] =	vst.idx.add.s32.msk vm3, v1  }
0x9b: {  	[tilespmem:v3+s18+$0x0] =	vst.idx.add.s32.msk vm0, v1  }
0x9c: {  	[tilespmem:v4+s18+$0x0] =	vst.idx.add.s32.msk vm1, v1  }
0x9d: {  	[tilespmem:v5+s18+$0x0] =	vst.idx.add.s32.msk vm2, v1  }
0x9e: {  	[tilespmem:s3], [sflag:$0x1] =	stream.linear.gather [hbm4b:s8+s3], $0x4000, $0x38;
	[tilespmem:$0x18080] =	vst v63  }
0x9f: {  	_ =	swait.ge [sflag:s19], $0x4000  }
0xa0: {  	[sflag:s19] =	ssyncset.done $0x0  }
0xa1: {  	s23 =	simm.s32 $0x4040;
	[sflag:s19] =	ssyncadd.s32 $0xFFFFC000  }
0xa2: {  	v3 =	vld [tilespmem:s23+$0x30]  }
0xa3: {  	v4 =	vld [tilespmem:s23+$0xFFFFFFD0]  }
0xa4: {  	v5 =	vld [tilespmem:s23+$0xFFFFFFE0]  }
0xa5: {  	v6 =	vld [tilespmem:s23+$0xFFFFFFF0];
	_ =	sdelay $0x1  }
0xa6: {  	v7 =	vshra.s32 v3, $0x10  }
0xa7: {  	v8 =	vld [tilespmem:s23+$0x0];
	v9 =	vshra.s32 v4, $0x10;
	vm1 =	veq.s32 v7, v2  }
0xa8: {  	v62 =	vshra.s32 v5, $0x10;
	v3 =	vand.u32 $0xFFFF, v3;
	v7 =	vld [tilespmem:s23+$0x10];
	vm2 =	veq.s32 v9, v2  }
0xa9: {  	v63 =	vld [tilespmem:s23+$0xFFFFFFC0];
	v10 =	vand.u32 $0xFFFF, v4;
	v4 =	vshra.s32 v6, $0x10;
	vm3 =	veq.s32 v62, v2  }
0xaa: {  	v11 =	vld [tilespmem:s23+$0x20];
	v5 =	vand.u32 $0xFFFF, v5;
	vm4 =	veq.s32 v4, v2  }
0xab: {  	v12 =	vand.u32 $0xFFFF, v6  }
0xac: {  	v4 =	vshra.s32 v8, $0x10  }
0xad: {  	vm0 =	veq.s32 v4, v2;
	v4 =	vshra.s32 v7, $0x10;
	[tilespmem:v3+s18+$0x0] =	vst.idx.add.s32.msk vm1, v1  }
0xae: {  	v6 =	vand.u32 $0xFFFF, v63;
	v3 =	vand.u32 $0xFFFF, v8;
	vm1 =	veq.s32 v4, v2;
	[tilespmem:v10+s18+$0x0] =	vst.idx.add.s32.msk vm2, v1  }
0xaf: {  	v4 =	vand.u32 $0xFFFF, v7;
	v7 =	vshra.s32 v11, $0x10;
	v8 =	vshra.s32 v63, $0x10;
	[tilespmem:v5+s18+$0x0] =	vst.idx.add.s32.msk vm3, v1  }
0xb0: {  	s24 =	simm.s32 $0x40C0;
	s23 =	simm.s32 $0x0;
	v5 =	vand.u32 $0xFFFF, v11;
	[tilespmem:v12+s18+$0x0] =	vst.idx.add.s32.msk vm4, v1;
	vm2 =	veq.s32 v7, v2;
	vm3 =	veq.s32 v8, v2  }
.LBB2_10:
0xb1: {  	v7 =	vld [tilespmem:s24+$0x30];
	s23 =	sadd.s32 $0x8, s23  }
0xb2: {  	v8 =	vld [tilespmem:s24+$0xFFFFFFD0];
	p0 =	slt.u32 s23, $0x3F8  }
0xb3: {  	v9 =	vld [tilespmem:s24+$0xFFFFFFE0]  }
0xb4: {  	v10 =	vld [tilespmem:s24+$0xFFFFFFF0]  }
0xb5: {  	v11 =	vld [tilespmem:s24+$0x0]  }
0xb6: {  	v12 =	vld [tilespmem:s24+$0x10];
	v13 =	vshra.s32 v7, $0x10  }
0xb7: {  	v14 =	vshra.s32 v8, $0x10;
	v8 =	vand.u32 $0xFFFF, v8;
	v15 =	vld [tilespmem:s24+$0x20];
	vm4 =	veq.s32 v13, v2  }
0xb8: {  	v7 =	vand.u32 $0xFFFF, v7;
	v13 =	vld [tilespmem:s24+$0xFFFFFFC0];
	vm5 =	veq.s32 v14, v2;
	v14 =	vshra.s32 v9, $0x10  }
0xb9: {  	v9 =	vand.u32 $0xFFFF, v9;
	vm6 =	veq.s32 v14, v2;
	v14 =	vshra.s32 v10, $0x10;
	[tilespmem:v6+s18+$0x0] =	vst.idx.add.s32.msk vm3, v1  }
0xba: {  	v10 =	vand.u32 $0xFFFF, v10;
	vm7 =	veq.s32 v14, v2;
	v6 =	vshra.s32 v11, $0x10;
	[tilespmem:v3+s18+$0x0] =	vst.idx.add.s32.msk vm0, v1  }
0xbb: {  	v3 =	vand.u32 $0xFFFF, v11;
	vm0 =	veq.s32 v6, v2;
	v6 =	vshra.s32 v12, $0x10;
	[tilespmem:v4+s18+$0x0] =	vst.idx.add.s32.msk vm1, v1  }
.Ltmp4:
0xbc: {  	v4 =	vand.u32 $0xFFFF, v12;
	vm1 =	veq.s32 v6, v2;
	v11 =	vshra.s32 v15, $0x10;
	[tilespmem:v5+s18+$0x0] =	vst.idx.add.s32.msk vm2, v1;
	(pc) =	sbr.rel @p0 .LBB2_10-.Ltmp4, $4  }
0xbd: {  	v5 =	vshra.s32 v13, $0x10;
	v6 =	vand.u32 $0xFFFF, v13;
	vm2 =	veq.s32 v11, v2;
	[tilespmem:v7+s18+$0x0] =	vst.idx.add.s32.msk vm4, v1  }
0xbe: {  	vm3 =	veq.s32 v5, v2;
	[tilespmem:v8+s18+$0x0] =	vst.idx.add.s32.msk vm5, v1;
	v5 =	vand.u32 $0xFFFF, v15  }
0xbf: {  	[tilespmem:v9+s18+$0x0] =	vst.idx.add.s32.msk vm6, v1  }
0xc0: {  	s24 =	sadd.s32 $0x80, s24;
	[tilespmem:v10+s18+$0x0] =	vst.idx.add.s32.msk vm7, v1  }
0xc1: {  	_ =	sdelay $0x4  }
0xc2: {  	[tilespmem:v6+s18+$0x0] =	vst.idx.add.s32.msk vm3, v1  }
0xc3: {  	[tilespmem:v3+s18+$0x0] =	vst.idx.add.s32.msk vm0, v1  }
0xc4: {  	[tilespmem:v4+s18+$0x0] =	vst.idx.add.s32.msk vm1, v1  }
0xc5: {  	[tilespmem:v5+s18+$0x0] =	vst.idx.add.s32.msk vm2, v1  }
0xc6: {  	[tilespmem:s16], [sflag:$0x2] =	stream.linear.gather [hbm4b:s9+s3], $0x4000, $0x38;
	[tilespmem:$0x18080] =	vst v63  }
0xc7: {  	_ =	swait.ge [sflag:s17], $0x4000  }
0xc8: {  	[sflag:s17] =	ssyncset.done $0x0  }
0xc9: {  	s23 =	simm.s32 $0x40;
	[sflag:s17] =	ssyncadd.s32 $0xFFFFC000  }
0xca: {  	v3 =	vld [tilespmem:s23+$0x30]  }
0xcb: {  	v4 =	vld [tilespmem:s23+$0xFFFFFFD0]  }
0xcc: {  	v5 =	vld [tilespmem:s23+$0xFFFFFFE0]  }
0xcd: {  	v6 =	vld [tilespmem:s23+$0xFFFFFFF0];
	_ =	sdelay $0x1  }
0xce: {  	v7 =	vshra.s32 v3, $0x10  }
0xcf: {  	v8 =	vld [tilespmem:s23+$0x0];
	v9 =	vshra.s32 v4, $0x10;
	vm1 =	veq.s32 v7, v2  }
0xd0: {  	v62 =	vshra.s32 v5, $0x10;
	v3 =	vand.u32 $0xFFFF, v3;
	v7 =	vld [tilespmem:s23+$0x10];
	vm2 =	veq.s32 v9, v2  }
0xd1: {  	v63 =	vld [tilespmem:s23+$0xFFFFFFC0];
	v10 =	vand.u32 $0xFFFF, v4;
	v4 =	vshra.s32 v6, $0x10;
	vm3 =	veq.s32 v62, v2  }
0xd2: {  	v11 =	vld [tilespmem:s23+$0x20];
	v5 =	vand.u32 $0xFFFF, v5;
	vm4 =	veq.s32 v4, v2  }
0xd3: {  	v12 =	vand.u32 $0xFFFF, v6  }
0xd4: {  	v4 =	vshra.s32 v8, $0x10  }
0xd5: {  	vm0 =	veq.s32 v4, v2;
	v4 =	vshra.s32 v7, $0x10;
	[tilespmem:v3+s18+$0x0] =	vst.idx.add.s32.msk vm1, v1  }
0xd6: {  	v6 =	vand.u32 $0xFFFF, v63;
	v3 =	vand.u32 $0xFFFF, v8;
	vm1 =	veq.s32 v4, v2;
	[tilespmem:v10+s18+$0x0] =	vst.idx.add.s32.msk vm2, v1  }
0xd7: {  	v4 =	vand.u32 $0xFFFF, v7;
	v7 =	vshra.s32 v11, $0x10;
	v8 =	vshra.s32 v63, $0x10;
	[tilespmem:v5+s18+$0x0] =	vst.idx.add.s32.msk vm3, v1  }
0xd8: {  	s24 =	simm.s32 $0xC0;
	s23 =	simm.s32 $0x0;
	v5 =	vand.u32 $0xFFFF, v11;
	[tilespmem:v12+s18+$0x0] =	vst.idx.add.s32.msk vm4, v1;
	vm2 =	veq.s32 v7, v2;
	vm3 =	veq.s32 v8, v2  }
.LBB2_12:
0xd9: {  	v7 =	vld [tilespmem:s24+$0x30];
	s23 =	sadd.s32 $0x8, s23  }
0xda: {  	v8 =	vld [tilespmem:s24+$0xFFFFFFD0];
	p0 =	slt.u32 s23, $0x3F8  }
0xdb: {  	v9 =	vld [tilespmem:s24+$0xFFFFFFE0]  }
0xdc: {  	v10 =	vld [tilespmem:s24+$0xFFFFFFF0]  }
0xdd: {  	v11 =	vld [tilespmem:s24+$0x0]  }
0xde: {  	v12 =	vld [tilespmem:s24+$0x10];
	v13 =	vshra.s32 v7, $0x10  }
0xdf: {  	v14 =	vshra.s32 v8, $0x10;
	v8 =	vand.u32 $0xFFFF, v8;
	v15 =	vld [tilespmem:s24+$0x20];
	vm4 =	veq.s32 v13, v2  }
0xe0: {  	v7 =	vand.u32 $0xFFFF, v7;
	v13 =	vld [tilespmem:s24+$0xFFFFFFC0];
	vm5 =	veq.s32 v14, v2;
	v14 =	vshra.s32 v9, $0x10  }
0xe1: {  	v9 =	vand.u32 $0xFFFF, v9;
	vm6 =	veq.s32 v14, v2;
	v14 =	vshra.s32 v10, $0x10;
	[tilespmem:v6+s18+$0x0] =	vst.idx.add.s32.msk vm3, v1  }
0xe2: {  	v10 =	vand.u32 $0xFFFF, v10;
	vm7 =	veq.s32 v14, v2;
	v6 =	vshra.s32 v11, $0x10;
	[tilespmem:v3+s18+$0x0] =	vst.idx.add.s32.msk vm0, v1  }
0xe3: {  	v3 =	vand.u32 $0xFFFF, v11;
	vm0 =	veq.s32 v6, v2;
	v6 =	vshra.s32 v12, $0x10;
	[tilespmem:v4+s18+$0x0] =	vst.idx.add.s32.msk vm1, v1  }
.Ltmp5:
0xe4: {  	v4 =	vand.u32 $0xFFFF, v12;
	vm1 =	veq.s32 v6, v2;
	v11 =	vshra.s32 v15, $0x10;
	[tilespmem:v5+s18+$0x0] =	vst.idx.add.s32.msk vm2, v1;
	(pc) =	sbr.rel @p0 .LBB2_12-.Ltmp5, $4  }
0xe5: {  	v5 =	vshra.s32 v13, $0x10;
	v6 =	vand.u32 $0xFFFF, v13;
	vm2 =	veq.s32 v11, v2;
	[tilespmem:v7+s18+$0x0] =	vst.idx.add.s32.msk vm4, v1  }
0xe6: {  	vm3 =	veq.s32 v5, v2;
	[tilespmem:v8+s18+$0x0] =	vst.idx.add.s32.msk vm5, v1;
	v5 =	vand.u32 $0xFFFF, v15  }
0xe7: {  	[tilespmem:v9+s18+$0x0] =	vst.idx.add.s32.msk vm6, v1  }
0xe8: {  	s24 =	sadd.s32 $0x80, s24;
	[tilespmem:v10+s18+$0x0] =	vst.idx.add.s32.msk vm7, v1  }
0xe9: {  	_ =	sdelay $0x4  }
0xea: {  	[tilespmem:v6+s18+$0x0] =	vst.idx.add.s32.msk vm3, v1  }
0xeb: {  	[tilespmem:v3+s18+$0x0] =	vst.idx.add.s32.msk vm0, v1  }
0xec: {  	[tilespmem:v4+s18+$0x0] =	vst.idx.add.s32.msk vm1, v1  }
0xed: {  	[tilespmem:v5+s18+$0x0] =	vst.idx.add.s32.msk vm2, v1  }
0xee: {  	[tilespmem:s3], [sflag:$0x1] =	stream.linear.gather [hbm4b:s10+s3], $0x4000, $0x38;
	[tilespmem:$0x18080] =	vst v63  }
0xef: {  	_ =	swait.ge [sflag:s19], $0x4000  }
0xf0: {  	[sflag:s19] =	ssyncset.done $0x0  }
0xf1: {  	s23 =	simm.s32 $0x4040;
	[sflag:s19] =	ssyncadd.s32 $0xFFFFC000  }
0xf2: {  	v3 =	vld [tilespmem:s23+$0x30]  }
0xf3: {  	v4 =	vld [tilespmem:s23+$0xFFFFFFD0]  }
0xf4: {  	v5 =	vld [tilespmem:s23+$0xFFFFFFE0]  }
0xf5: {  	v6 =	vld [tilespmem:s23+$0xFFFFFFF0];
	_ =	sdelay $0x1  }
0xf6: {  	v7 =	vshra.s32 v3, $0x10  }
0xf7: {  	v8 =	vld [tilespmem:s23+$0x0];
	v9 =	vshra.s32 v4, $0x10;
	vm1 =	veq.s32 v7, v2  }
0xf8: {  	v62 =	vshra.s32 v5, $0x10;
	v3 =	vand.u32 $0xFFFF, v3;
	v7 =	vld [tilespmem:s23+$0x10];
	vm2 =	veq.s32 v9, v2  }
0xf9: {  	v63 =	vld [tilespmem:s23+$0xFFFFFFC0];
	v10 =	vand.u32 $0xFFFF, v4;
	v4 =	vshra.s32 v6, $0x10;
	vm3 =	veq.s32 v62, v2  }
0xfa: {  	v11 =	vld [tilespmem:s23+$0x20];
	v5 =	vand.u32 $0xFFFF, v5;
	vm4 =	veq.s32 v4, v2  }
0xfb: {  	v12 =	vand.u32 $0xFFFF, v6  }
0xfc: {  	v4 =	vshra.s32 v8, $0x10  }
0xfd: {  	vm0 =	veq.s32 v4, v2;
	v4 =	vshra.s32 v7, $0x10;
	[tilespmem:v3+s18+$0x0] =	vst.idx.add.s32.msk vm1, v1  }
0xfe: {  	v6 =	vand.u32 $0xFFFF, v63;
	v3 =	vand.u32 $0xFFFF, v8;
	vm1 =	veq.s32 v4, v2;
	[tilespmem:v10+s18+$0x0] =	vst.idx.add.s32.msk vm2, v1  }
0xff: {  	v4 =	vand.u32 $0xFFFF, v7;
	v7 =	vshra.s32 v11, $0x10;
	v8 =	vshra.s32 v63, $0x10;
	[tilespmem:v5+s18+$0x0] =	vst.idx.add.s32.msk vm3, v1  }
0x100: {  	s24 =	simm.s32 $0x40C0;
	s23 =	simm.s32 $0x0;
	v5 =	vand.u32 $0xFFFF, v11;
	[tilespmem:v12+s18+$0x0] =	vst.idx.add.s32.msk vm4, v1;
	vm2 =	veq.s32 v7, v2;
	vm3 =	veq.s32 v8, v2  }
.LBB2_14:
0x101: {  	v7 =	vld [tilespmem:s24+$0x30];
	s23 =	sadd.s32 $0x8, s23  }
0x102: {  	v8 =	vld [tilespmem:s24+$0xFFFFFFD0];
	p0 =	slt.u32 s23, $0x3F8  }
0x103: {  	v9 =	vld [tilespmem:s24+$0xFFFFFFE0]  }
0x104: {  	v10 =	vld [tilespmem:s24+$0xFFFFFFF0]  }
0x105: {  	v11 =	vld [tilespmem:s24+$0x0]  }
0x106: {  	v12 =	vld [tilespmem:s24+$0x10];
	v13 =	vshra.s32 v7, $0x10  }
0x107: {  	v14 =	vshra.s32 v8, $0x10;
	v8 =	vand.u32 $0xFFFF, v8;
	v15 =	vld [tilespmem:s24+$0x20];
	vm4 =	veq.s32 v13, v2  }
0x108: {  	v7 =	vand.u32 $0xFFFF, v7;
	v13 =	vld [tilespmem:s24+$0xFFFFFFC0];
	vm5 =	veq.s32 v14, v2;
	v14 =	vshra.s32 v9, $0x10  }
0x109: {  	v9 =	vand.u32 $0xFFFF, v9;
	vm6 =	veq.s32 v14, v2;
	v14 =	vshra.s32 v10, $0x10;
	[tilespmem:v6+s18+$0x0] =	vst.idx.add.s32.msk vm3, v1  }
0x10a: {  	v10 =	vand.u32 $0xFFFF, v10;
	vm7 =	veq.s32 v14, v2;
	v6 =	vshra.s32 v11, $0x10;
	[tilespmem:v3+s18+$0x0] =	vst.idx.add.s32.msk vm0, v1  }
0x10b: {  	v3 =	vand.u32 $0xFFFF, v11;
	vm0 =	veq.s32 v6, v2;
	v6 =	vshra.s32 v12, $0x10;
	[tilespmem:v4+s18+$0x0] =	vst.idx.add.s32.msk vm1, v1  }
.Ltmp6:
0x10c: {  	v4 =	vand.u32 $0xFFFF, v12;
	vm1 =	veq.s32 v6, v2;
	v11 =	vshra.s32 v15, $0x10;
	[tilespmem:v5+s18+$0x0] =	vst.idx.add.s32.msk vm2, v1;
	(pc) =	sbr.rel @p0 .LBB2_14-.Ltmp6, $4  }
0x10d: {  	v5 =	vshra.s32 v13, $0x10;
	v6 =	vand.u32 $0xFFFF, v13;
	vm2 =	veq.s32 v11, v2;
	[tilespmem:v7+s18+$0x0] =	vst.idx.add.s32.msk vm4, v1  }
0x10e: {  	vm3 =	veq.s32 v5, v2;
	[tilespmem:v8+s18+$0x0] =	vst.idx.add.s32.msk vm5, v1;
	v5 =	vand.u32 $0xFFFF, v15  }
0x10f: {  	[tilespmem:v9+s18+$0x0] =	vst.idx.add.s32.msk vm6, v1  }
0x110: {  	s24 =	sadd.s32 $0x80, s24;
	[tilespmem:v10+s18+$0x0] =	vst.idx.add.s32.msk vm7, v1  }
0x111: {  	_ =	sdelay $0x4  }
0x112: {  	[tilespmem:v6+s18+$0x0] =	vst.idx.add.s32.msk vm3, v1  }
0x113: {  	[tilespmem:v3+s18+$0x0] =	vst.idx.add.s32.msk vm0, v1  }
0x114: {  	[tilespmem:v4+s18+$0x0] =	vst.idx.add.s32.msk vm1, v1  }
0x115: {  	[tilespmem:v5+s18+$0x0] =	vst.idx.add.s32.msk vm2, v1  }
0x116: {  	[tilespmem:s16], [sflag:$0x2] =	stream.linear.gather [hbm4b:s11+s3], $0x4000, $0x38;
	[tilespmem:$0x18080] =	vst v63  }
0x117: {  	_ =	swait.ge [sflag:s17], $0x4000  }
0x118: {  	[sflag:s17] =	ssyncset.done $0x0  }
0x119: {  	s23 =	simm.s32 $0x40;
	[sflag:s17] =	ssyncadd.s32 $0xFFFFC000  }
0x11a: {  	v3 =	vld [tilespmem:s23+$0x30]  }
0x11b: {  	v4 =	vld [tilespmem:s23+$0xFFFFFFD0]  }
0x11c: {  	v5 =	vld [tilespmem:s23+$0xFFFFFFE0]  }
0x11d: {  	v6 =	vld [tilespmem:s23+$0xFFFFFFF0];
	_ =	sdelay $0x1  }
0x11e: {  	v7 =	vshra.s32 v3, $0x10  }
0x11f: {  	v8 =	vld [tilespmem:s23+$0x0];
	v9 =	vshra.s32 v4, $0x10;
	vm1 =	veq.s32 v7, v2  }
0x120: {  	v62 =	vshra.s32 v5, $0x10;
	v3 =	vand.u32 $0xFFFF, v3;
	v7 =	vld [tilespmem:s23+$0x10];
	vm2 =	veq.s32 v9, v2  }
0x121: {  	v63 =	vld [tilespmem:s23+$0xFFFFFFC0];
	v10 =	vand.u32 $0xFFFF, v4;
	v4 =	vshra.s32 v6, $0x10;
	vm3 =	veq.s32 v62, v2  }
0x122: {  	v11 =	vld [tilespmem:s23+$0x20];
	v5 =	vand.u32 $0xFFFF, v5;
	vm4 =	veq.s32 v4, v2  }
0x123: {  	v12 =	vand.u32 $0xFFFF, v6  }
0x124: {  	v4 =	vshra.s32 v8, $0x10  }
0x125: {  	vm0 =	veq.s32 v4, v2;
	v4 =	vshra.s32 v7, $0x10;
	[tilespmem:v3+s18+$0x0] =	vst.idx.add.s32.msk vm1, v1  }
0x126: {  	v6 =	vand.u32 $0xFFFF, v63;
	v3 =	vand.u32 $0xFFFF, v8;
	vm1 =	veq.s32 v4, v2;
	[tilespmem:v10+s18+$0x0] =	vst.idx.add.s32.msk vm2, v1  }
0x127: {  	v4 =	vand.u32 $0xFFFF, v7;
	v7 =	vshra.s32 v11, $0x10;
	v8 =	vshra.s32 v63, $0x10;
	[tilespmem:v5+s18+$0x0] =	vst.idx.add.s32.msk vm3, v1  }
0x128: {  	s24 =	simm.s32 $0xC0;
	s23 =	simm.s32 $0x0;
	v5 =	vand.u32 $0xFFFF, v11;
	[tilespmem:v12+s18+$0x0] =	vst.idx.add.s32.msk vm4, v1;
	vm2 =	veq.s32 v7, v2;
	vm3 =	veq.s32 v8, v2  }
.LBB2_16:
0x129: {  	v7 =	vld [tilespmem:s24+$0x30];
	s23 =	sadd.s32 $0x8, s23  }
0x12a: {  	v8 =	vld [tilespmem:s24+$0xFFFFFFD0];
	p0 =	slt.u32 s23, $0x3F8  }
0x12b: {  	v9 =	vld [tilespmem:s24+$0xFFFFFFE0]  }
0x12c: {  	v10 =	vld [tilespmem:s24+$0xFFFFFFF0]  }
0x12d: {  	v11 =	vld [tilespmem:s24+$0x0]  }
0x12e: {  	v12 =	vld [tilespmem:s24+$0x10];
	v13 =	vshra.s32 v7, $0x10  }
0x12f: {  	v14 =	vshra.s32 v8, $0x10;
	v8 =	vand.u32 $0xFFFF, v8;
	v15 =	vld [tilespmem:s24+$0x20];
	vm4 =	veq.s32 v13, v2  }
0x130: {  	v7 =	vand.u32 $0xFFFF, v7;
	v13 =	vld [tilespmem:s24+$0xFFFFFFC0];
	vm5 =	veq.s32 v14, v2;
	v14 =	vshra.s32 v9, $0x10  }
0x131: {  	v9 =	vand.u32 $0xFFFF, v9;
	vm6 =	veq.s32 v14, v2;
	v14 =	vshra.s32 v10, $0x10;
	[tilespmem:v6+s18+$0x0] =	vst.idx.add.s32.msk vm3, v1  }
0x132: {  	v10 =	vand.u32 $0xFFFF, v10;
	vm7 =	veq.s32 v14, v2;
	v6 =	vshra.s32 v11, $0x10;
	[tilespmem:v3+s18+$0x0] =	vst.idx.add.s32.msk vm0, v1  }
0x133: {  	v3 =	vand.u32 $0xFFFF, v11;
	vm0 =	veq.s32 v6, v2;
	v6 =	vshra.s32 v12, $0x10;
	[tilespmem:v4+s18+$0x0] =	vst.idx.add.s32.msk vm1, v1  }
.Ltmp7:
0x134: {  	v4 =	vand.u32 $0xFFFF, v12;
	vm1 =	veq.s32 v6, v2;
	v11 =	vshra.s32 v15, $0x10;
	[tilespmem:v5+s18+$0x0] =	vst.idx.add.s32.msk vm2, v1;
	(pc) =	sbr.rel @p0 .LBB2_16-.Ltmp7, $4  }
0x135: {  	v5 =	vshra.s32 v13, $0x10;
	v6 =	vand.u32 $0xFFFF, v13;
	vm2 =	veq.s32 v11, v2;
	[tilespmem:v7+s18+$0x0] =	vst.idx.add.s32.msk vm4, v1  }
0x136: {  	vm3 =	veq.s32 v5, v2;
	[tilespmem:v8+s18+$0x0] =	vst.idx.add.s32.msk vm5, v1;
	v5 =	vand.u32 $0xFFFF, v15  }
0x137: {  	[tilespmem:v9+s18+$0x0] =	vst.idx.add.s32.msk vm6, v1  }
0x138: {  	s24 =	sadd.s32 $0x80, s24;
	[tilespmem:v10+s18+$0x0] =	vst.idx.add.s32.msk vm7, v1  }
0x139: {  	_ =	sdelay $0x4  }
0x13a: {  	[tilespmem:v6+s18+$0x0] =	vst.idx.add.s32.msk vm3, v1  }
0x13b: {  	[tilespmem:v3+s18+$0x0] =	vst.idx.add.s32.msk vm0, v1  }
0x13c: {  	[tilespmem:v4+s18+$0x0] =	vst.idx.add.s32.msk vm1, v1  }
0x13d: {  	[tilespmem:v5+s18+$0x0] =	vst.idx.add.s32.msk vm2, v1  }
0x13e: {  	_ =	swait.ge [sflag:s19], $0x4000  }
0x13f: {  	[sflag:s19] =	ssyncset.done $0x0  }
0x140: {  	s23 =	simm.s32 $0x4040;
	[sflag:s19] =	ssyncadd.s32 $0xFFFFC000  }
0x141: {  	v3 =	vld [tilespmem:s23+$0x30]  }
0x142: {  	v4 =	vld [tilespmem:s23+$0xFFFFFFD0]  }
0x143: {  	v5 =	vld [tilespmem:s23+$0xFFFFFFE0]  }
0x144: {  	v6 =	vld [tilespmem:s23+$0xFFFFFFF0];
	_ =	sdelay $0x1  }
0x145: {  	v7 =	vshra.s32 v3, $0x10  }
0x146: {  	v8 =	vld [tilespmem:s23+$0x0];
	v9 =	vshra.s32 v4, $0x10;
	vm1 =	veq.s32 v7, v2  }
0x147: {  	v62 =	vshra.s32 v5, $0x10;
	v3 =	vand.u32 $0xFFFF, v3;
	v7 =	vld [tilespmem:s23+$0x10];
	vm2 =	veq.s32 v9, v2  }
0x148: {  	v63 =	vld [tilespmem:s23+$0xFFFFFFC0];
	v10 =	vand.u32 $0xFFFF, v4;
	v4 =	vshra.s32 v6, $0x10;
	vm3 =	veq.s32 v62, v2  }
0x149: {  	v11 =	vld [tilespmem:s23+$0x20];
	v5 =	vand.u32 $0xFFFF, v5;
	vm4 =	veq.s32 v4, v2  }
0x14a: {  	v12 =	vand.u32 $0xFFFF, v6  }
0x14b: {  	v4 =	vshra.s32 v8, $0x10  }
0x14c: {  	vm0 =	veq.s32 v4, v2;
	v4 =	vshra.s32 v7, $0x10;
	[tilespmem:v3+s18+$0x0] =	vst.idx.add.s32.msk vm1, v1  }
0x14d: {  	v6 =	vand.u32 $0xFFFF, v63;
	v3 =	vand.u32 $0xFFFF, v8;
	vm1 =	veq.s32 v4, v2;
	[tilespmem:v10+s18+$0x0] =	vst.idx.add.s32.msk vm2, v1  }
0x14e: {  	v4 =	vand.u32 $0xFFFF, v7;
	v7 =	vshra.s32 v11, $0x10;
	v8 =	vshra.s32 v63, $0x10;
	[tilespmem:v5+s18+$0x0] =	vst.idx.add.s32.msk vm3, v1  }
0x14f: {  	s24 =	simm.s32 $0x40C0;
	s23 =	simm.s32 $0x0;
	v5 =	vand.u32 $0xFFFF, v11;
	[tilespmem:v12+s18+$0x0] =	vst.idx.add.s32.msk vm4, v1;
	vm2 =	veq.s32 v7, v2;
	vm3 =	veq.s32 v8, v2  }
.LBB2_18:
0x150: {  	v7 =	vld [tilespmem:s24+$0x30];
	s23 =	sadd.s32 $0x8, s23  }
0x151: {  	v8 =	vld [tilespmem:s24+$0xFFFFFFD0];
	p0 =	slt.u32 s23, $0x3F8  }
0x152: {  	v9 =	vld [tilespmem:s24+$0xFFFFFFE0]  }
0x153: {  	v10 =	vld [tilespmem:s24+$0xFFFFFFF0]  }
0x154: {  	v11 =	vld [tilespmem:s24+$0x0]  }
0x155: {  	v12 =	vld [tilespmem:s24+$0x10];
	v13 =	vshra.s32 v7, $0x10  }
0x156: {  	v14 =	vshra.s32 v8, $0x10;
	v8 =	vand.u32 $0xFFFF, v8;
	v15 =	vld [tilespmem:s24+$0x20];
	vm4 =	veq.s32 v13, v2  }
0x157: {  	v7 =	vand.u32 $0xFFFF, v7;
	v13 =	vld [tilespmem:s24+$0xFFFFFFC0];
	vm5 =	veq.s32 v14, v2;
	v14 =	vshra.s32 v9, $0x10  }
0x158: {  	v9 =	vand.u32 $0xFFFF, v9;
	vm6 =	veq.s32 v14, v2;
	v14 =	vshra.s32 v10, $0x10;
	[tilespmem:v6+s18+$0x0] =	vst.idx.add.s32.msk vm3, v1  }
0x159: {  	v10 =	vand.u32 $0xFFFF, v10;
	vm7 =	veq.s32 v14, v2;
	v6 =	vshra.s32 v11, $0x10;
	[tilespmem:v3+s18+$0x0] =	vst.idx.add.s32.msk vm0, v1  }
0x15a: {  	v3 =	vand.u32 $0xFFFF, v11;
	vm0 =	veq.s32 v6, v2;
	v6 =	vshra.s32 v12, $0x10;
	[tilespmem:v4+s18+$0x0] =	vst.idx.add.s32.msk vm1, v1  }
.Ltmp8:
0x15b: {  	v4 =	vand.u32 $0xFFFF, v12;
	vm1 =	veq.s32 v6, v2;
	v11 =	vshra.s32 v15, $0x10;
	[tilespmem:v5+s18+$0x0] =	vst.idx.add.s32.msk vm2, v1;
	(pc) =	sbr.rel @p0 .LBB2_18-.Ltmp8, $4  }
0x15c: {  	v5 =	vshra.s32 v13, $0x10;
	v6 =	vand.u32 $0xFFFF, v13;
	vm2 =	veq.s32 v11, v2;
	[tilespmem:v7+s18+$0x0] =	vst.idx.add.s32.msk vm4, v1  }
0x15d: {  	vm3 =	veq.s32 v5, v2;
	[tilespmem:v8+s18+$0x0] =	vst.idx.add.s32.msk vm5, v1;
	v5 =	vand.u32 $0xFFFF, v15  }
0x15e: {  	[tilespmem:v9+s18+$0x0] =	vst.idx.add.s32.msk vm6, v1  }
0x15f: {  	s24 =	sadd.s32 $0x80, s24;
	[tilespmem:v10+s18+$0x0] =	vst.idx.add.s32.msk vm7, v1  }
0x160: {  	_ =	sdelay $0x4  }
0x161: {  	[tilespmem:v6+s18+$0x0] =	vst.idx.add.s32.msk vm3, v1  }
0x162: {  	[tilespmem:v3+s18+$0x0] =	vst.idx.add.s32.msk vm0, v1;
	s22 =	sadd.s32 $0x1, s22  }
0x163: {  	[tilespmem:v4+s18+$0x0] =	vst.idx.add.s32.msk vm1, v1;
	p0 =	sne.s32 s22, s13  }
.Ltmp9:
0x164: {  	[tilespmem:v5+s18+$0x0] =	vst.idx.add.s32.msk vm2, v1;
	(pc) =	sbr.rel @p0 .LBB2_1-.Ltmp9, $4  }
0x165: {  	[hbm4b:s12+s20] =	stream.strided.scatter [tilespmem:s18], [sflag:$0x3], $0x10000, s21, s20, $0x38;
	[tilespmem:$0x18080] =	vst v63  }
0x166: {  	_ =	swait.ge [sflag:s15], $0x10000  }
0x167: {  	[sflag:s15] =	ssyncset.done $0x0  }
0x168: {  	[sflag:s15] =	ssyncadd.s32 $0xFFFF0000  }
0x169: {  	_ =	sfence.sel $0x180000  }
0x16a: {  	[bflag:$0x0] =	sbarrier.arrive $0xFFFF  }
0x16b: {  	p0 =	sne.s32 s1, $0x0;
	_ =	strace $0x9000004A  }
0x16c: {  	s0 =	sadd.s32 @!p0 $0x100000, s0;
	[bflag:$0x2] =	sbarrier.arrive $0xFFFF  }
0x16d: {  	[sflag:s0] =	ssyncadd.tile.s32 @!p0 $0x1;
	_ =	shalt  }
.Lfunc_end2:
_tile_overlayer_lowered:
.L_overlay_start_2:
0x16e: {  	(tag) =	ssettag $0x2  }
0x16f: {  	s0 =	rddreg [dreg:$0x0];
	s2 =	stileid.u32  }
0x170: {  	s1 =	rddreg [dreg:$0x1];
	p0 =	sne.s32 s2, $0x0  }
0x171: {  	s3 =	rddreg [dreg:$0x2];
	[bflag:$0x3] =	sbarrier.arrive $0xFFFF;
	s2 =	simm.s32 @!p0 $0x1C03  }
0x172: {  	[timem:s3], [sflag:s2] =	dma.local @!p0 [hbm:s0], s1  }
0x173: {  	s0 =	simm.s32 @!p0 $0x3  }
0x174: {  	_ =	swait.ge @!p0 [sflag:s0], s1  }
0x175: {  	s1 =	ssub.s32 @!p0 $0x0, s1;
	[sflag:s0] =	ssyncset.done @!p0 $0x0  }
0x176: {  	[sflag:s0] =	ssyncadd.s32 @!p0 s1  }
0x177: {  	[bflag:$0x3] =	sbarrier.arrive $0xFFFF  }
0x178: {  	_ =	shalt  }

// kernel: kernel.8.cloned.1.call-start
scs
__scs_entry_jumppad:
0x0: {  	(pc) =	sbr.rel $0x88, $3  }
0x1: {  	(tag) =	ssettag $0x0;
	lr =	simm.s32 $0x1  }
0x2: {  	[smem:$0x3F9F] =	sst lr;
	_ =	strace $0xD0000000  }
0x3: {  	_ = 	snop  }
0x4: {  	_ = 	snop  }
0x5: {  	_ = 	snop  }
0x6: {  	_ = 	snop  }
0x7: {  	_ = 	snop  }
__scs_overlays_trampoline_lowered:
0x8: {  	[smem:$0x3FAE] =	sst s0  }
0x9: {  	[smem:$0x3FAF] =	sst s1  }
0xa: {  	[smem:$0x3FB0] =	sst s2  }
0xb: {  	[smem:$0x3FB1] =	sst s3  }
0xc: {  	[smem:$0x3FB2] =	sst s4  }
0xd: {  	[smem:$0x3FB3] =	sst s5  }
0xe: {  	[smem:$0x3FB4] =	sst s6  }
0xf: {  	[smem:$0x3FB5] =	sst s7  }
0x10: {  	[smem:$0x3FB6] =	sst s8  }
0x11: {  	[smem:$0x3FB7] =	sst s9;
	s0 =	simm.s32 @!p0 $0x0  }
0x12: {  	s1 =	sld [smem:$0x3F9D];
	s0 =	simm.s32 @p0 $0x1  }
0x13: {  	[smem:$0x3FB8] =	sst s0;
	s0 =	simm.s32 @!p1 $0x0  }
0x14: {  	s2 =	sld [smem:$0x3F9C];
	s0 =	simm.s32 @p1 $0x1  }
0x15: {  	[smem:$0x3FB9] =	sst s0;
	s0 =	simm.s32 @!p2 $0x0  }
0x16: {  	s3 =	sld [smem:$0x3FDB];
	s0 =	simm.s32 @p2 $0x1  }
0x17: {  	s4 =	simm.s32 $0x1BF5;
	[smem:$0x3FBB] =	sst s0  }
0x18: {  	s0 =	sld [smem:$0x3F9E];
	_ =	swait.ge [sflag:s4], $0x0  }
0x19: {  	s7 =	sld [smem:$0x3F9F]  }
0x1a: {  	s8 =	sadd.s32 $0xFFFFE003, lr  }
0x1b: {  	s9 =	sadd.s32 $0xFFFFFEF7, lr;
	s5 =	simm.s32 $0xFFFFFFFF;
	p2 =	slt.u32 s8, $0xFFFFF086  }
0x1c: {  	p1 =	slt.u32 s9, $0xF7A;
	s5 =	simm.s32 @!p2 $0x0  }
0x1d: {  	s5 =	simm.s32 @p1 $0x1;
	p0 =	seq.s32 s7, s2  }
0x1e: {  	s7 =	smul.u32 @!p0 $0xF7A, s2;
	p2 =	seq.s32 @!p0 s5, $0x0  }
0x1f: {  	s9 =	smul.u32 $0xF7A, s1;
	s8 =	simm.s32 @!p0 $0x1BF5;
	p2 =	por !p2, p0  }
0x20: {  	[sflag:s8] =	ssyncset.s32 @!p0 $0xFFFFF086;
	s6 =	sadd.s32 @!p0 s3, s7;
	s7 =	simm.s32 @!p0 $0x108  }
0x21: {  	s3 =	sadd.s32 s3, s9;
	s6 =	sadd.s32 @!p0 $0x88, s6;
	s7 =	simm.s32 @p2 $0x1082  }
0x22: {  	[simem:s7], [sflag:s8] =	dma.local @!p0 [hbm:s6], $0xF7A  }
0x23: {  	s9 =	sor.u32 $0xD0000000, s2;
	s6 =	simm.s32 $0x108;
	_ =	swait.ge @!p0 [sflag:s8], $0x0  }
0x24: {  	s3 =	sadd.s32 $0x88, s3;
	s6 =	simm.s32 @!p1 $0x1082;
	[sflag:s4] =	ssyncset.s32 $0xFFFFF086  }
0x25: {  	[simem:s6], [sflag:s4] =	dma.local [hbm:s3], $0xF7A  }
0x26: {  	[smem:$0x3F9F] =	sst s1;
	(tag) =	ssettag s2;
	_ =	strace s9  }
0x27: {  	s1 =	sld [smem:$0x3FAF]  }
0x28: {  	s2 =	sld [smem:$0x3FB0]  }
0x29: {  	s4 =	sld [smem:$0x3FB2]  }
0x2a: {  	p0 =	seq.s32 s5, $0x0;
	s5 =	sld [smem:$0x3FB3]  }
0x2b: {  	s6 =	sld [smem:$0x3FB4]  }
0x2c: {  	s7 =	sld [smem:$0x3FB5]  }
0x2d: {  	s3 =	simm.s32 $0x108;
	s8 =	sld [smem:$0x3FB6]  }
0x2e: {  	s3 =	simm.s32 @!p0 $0x1082;
	s9 =	sld [smem:$0x3FB7]  }
0x2f: {  	lr =	sadd.s32 s0, s3;
	s0 =	sld [smem:$0x3FAE]  }
0x30: {  	s3 =	sld [smem:$0x3FB1]  }
0x31: {  	[smem:$0x3FBA] =	sst s10  }
0x32: {  	s10 =	sld [smem:$0x3FB8];
	_ =	sdelay $0x3  }
0x33: {  	p0 =	seq.s32 s10, $0x1;
	s10 =	sld [smem:$0x3FBA];
	_ =	sdelay $0x3  }
0x34: {  	[smem:$0x3FBA] =	sst s10  }
0x35: {  	s10 =	sld [smem:$0x3FB9];
	_ =	sdelay $0x3  }
0x36: {  	p1 =	seq.s32 s10, $0x1;
	s10 =	sld [smem:$0x3FBA];
	_ =	sdelay $0x3  }
0x37: {  	[smem:$0x3FBA] =	sst s10  }
0x38: {  	s10 =	sld [smem:$0x3FBB]  }
0x39: {  	_ = 	snop;
	(pc) =	sbr.ind lr, $3  }
0x3a: {  	_ = 	snop  }
0x3b: {  	_ = 	snop  }
0x3c: {  	p2 =	seq.s32 s10, $0x1;
	s10 =	sld [smem:$0x3FBA]  }
0x3d: {  	_ =	shalt  }
0x3e: {  	_ =	shalt  }
0x3f: {  	_ =	shalt  }
0x40: {  	_ =	shalt  }
0x41: {  	_ =	shalt  }
0x42: {  	_ =	shalt  }
0x43: {  	_ =	shalt  }
0x44: {  	_ =	shalt  }
0x45: {  	_ =	shalt  }
0x46: {  	_ =	shalt  }
0x47: {  	_ =	shalt  }
0x48: {  	_ =	shalt  }
0x49: {  	_ =	shalt  }
0x4a: {  	_ =	shalt  }
0x4b: {  	_ =	shalt  }
0x4c: {  	_ =	shalt  }
0x4d: {  	_ =	shalt  }
0x4e: {  	_ =	shalt  }
0x4f: {  	_ =	shalt  }
0x50: {  	_ =	shalt  }
0x51: {  	_ =	shalt  }
0x52: {  	_ =	shalt  }
0x53: {  	_ =	shalt  }
0x54: {  	_ =	shalt  }
0x55: {  	_ =	shalt  }
0x56: {  	_ =	shalt  }
0x57: {  	_ =	shalt  }
0x58: {  	_ =	shalt  }
0x59: {  	_ =	shalt  }
0x5a: {  	_ =	shalt  }
0x5b: {  	_ =	shalt  }
0x5c: {  	_ =	shalt  }
0x5d: {  	_ =	shalt  }
0x5e: {  	_ =	shalt  }
0x5f: {  	_ =	shalt  }
0x60: {  	_ =	shalt  }
0x61: {  	_ =	shalt  }
0x62: {  	_ =	shalt  }
0x63: {  	_ =	shalt  }
0x64: {  	_ =	shalt  }
0x65: {  	_ =	shalt  }
0x66: {  	_ =	shalt  }
0x67: {  	_ =	shalt  }
0x68: {  	_ =	shalt  }
0x69: {  	_ =	shalt  }
0x6a: {  	_ =	shalt  }
0x6b: {  	_ =	shalt  }
0x6c: {  	_ =	shalt  }
0x6d: {  	_ =	shalt  }
0x6e: {  	_ =	shalt  }
0x6f: {  	_ =	shalt  }
0x70: {  	_ =	shalt  }
0x71: {  	_ =	shalt  }
0x72: {  	_ =	shalt  }
0x73: {  	_ =	shalt  }
0x74: {  	_ =	shalt  }
0x75: {  	_ =	shalt  }
0x76: {  	_ =	shalt  }
0x77: {  	_ =	shalt  }
0x78: {  	_ =	shalt  }
0x79: {  	_ =	shalt  }
0x7a: {  	_ =	shalt  }
0x7b: {  	_ =	shalt  }
0x7c: {  	_ =	shalt  }
0x7d: {  	_ =	shalt  }
0x7e: {  	_ =	shalt  }
0x7f: {  	_ =	shalt  }
0x80: {  	_ =	shalt  }
0x81: {  	_ =	shalt  }
0x82: {  	_ =	shalt  }
0x83: {  	_ =	shalt  }
0x84: {  	_ =	shalt  }
0x85: {  	_ =	shalt  }
0x86: {  	_ =	shalt  }
0x87: {  	_ =	shalt  }
.Lfunc_end0:
.L_simem_size_0:
called_computation_lowered:
.L_overlay_start_0:
0x88: {  	s2 =	sld [smem:$0x3FD9]  }
0x89: {  	s3 =	sld [smem:$0x3FFE];
	_ =	sdelay $0x1  }
0x8a: {  	s1 =	srdreg.scid  }
0x8b: {  	s0 =	sand.u32 $0x1, s1  }
0x8c: {  	s16 =	sshll.u32 s0, $0xA;
	s2 =	sadd.s32 s3, s2  }
0x8d: {  	s2 =	sadd.s32 s2, s16  }
0x8e: {  	[smem:$0x3FC6] =	sst s2  }
0x8f: {  	_ = 	snop  }
0x90: {  	(tm) =	ssettm $0x1  }
0x91: {  	s17 =	sld [smem:$0x3FFB];
	_ =	sdelay $0x3  }
0x92: {  	_ =	strace s17  }
0x93: {  	s2 =	sld [smem:$0x3FFC];
	_ =	sdelay $0x3  }
0x94: {  	_ =	strace s2  }
0x95: {  	s2 =	sld [smem:$0x3FFD];
	_ =	sdelay $0x3  }
0x96: {  	_ =	strace s2  }
0x97: {  	_ =	strace $0x8FFFFFFF  }
0x98: {  	s18 =	sld [smem:$0x3FDB];
	_ =	sdelay $0x1  }
0x99: {  	s19 =	simm.s32 $_scs_section_size  }
0x9a: {  	s4 =	simm.s32 $_size__tile_overlayer_lowered;
	s5 =	simm.s32 $_tile_overlayer_lowered  }
0x9b: {  	s22 =	simm.s32 $0x1BFF;
	s21 =	sshll.u32 s5, $0x1;
	s2 =	sadd.s32 s19, s18  }
0x9c: {  	s6 =	simm.s32 $0x0;
	s20 =	sshll.u32 s4, $0x1;
	s4 =	sadd.s32 s21, s2  }
0x9d: {  	[timem:s6], [sflag:s22] =	dma.local [hbm:s4], s20  }
0x9e: {  	_ =	swait.ge [sflag:s22], s20  }
0x9f: {  	s3 =	ssub.s32 $0x0, s20;
	[sflag:s22] =	ssyncset.done $0x0  }
0xa0: {  	[sflag:s22] =	ssyncadd.s32 s3;
	_ =	sdelay $0x1  }
0xa1: {  	s23 =	simm.s32 $0x1B8B  }
0xa2: {  	_ =	swait.ge [sflag:s23], $0x1  }
0xa3: {  	[sflag:s23] =	ssyncset.done $0x0  }
0xa4: {  	s25 =	simm.s32 $0x1B8E;
	s24 =	sld [smem:$0x3FFE];
	[sflag:s23] =	ssyncadd.s32 $0xFFFFFFFF  }
0xa5: {  	s26 =	simm.s32 $execute0_lowered;
	[smem:$0x3FD2] =	sst s25  }
0xa6: {  	s4 =	sshll.u32 s26, $0x1;
	_ =	strace $0x80000046;
	[dreg:$0x1] =	wrdreg $0xFFFFFFFF  }
0xa7: {  	s28 =	simm.s32 $_size_execute0_lowered;
	s2 =	sadd.s32 s2, s4;
	[dreg:$0x0] =	wrdreg $0x0  }
0xa8: {  	s4 =	sshll.u32 s28, $0x1;
	[dreg:$0x2] =	wrdreg s2  }
0xa9: {  	[dreg:$0x3] =	wrdreg s4  }
0xaa: {  	[dreg:$0x4] =	wrdreg $0xC0  }
0xab: {  	_ =	task [dreg:s6], $0x5FFFF  }
0xac: {  	[dreg:$0x1] =	wrdreg $0xFFFFFFFF  }
0xad: {  	[dreg:$0x0] =	wrdreg $0x60  }
0xae: {  	[dreg:$0x2] =	wrdreg s24  }
0xaf: {  	[dreg:$0x3] =	wrdreg $0x9  }
0xb0: {  	_ =	task.clear_ibuf [dreg:s6], $0x4FFFF;
	_ =	strace $0x90000046  }
0xb1: {  	s29 =	simm.s32 $0x9;
	_ =	strace $0x80000048  }
0xb2: {  	_ =	swait.ge [sflag:s29], $0x1  }
0xb3: {  	[sflag:s29] =	ssyncadd.s32 $0xFFFFFFFF  }
0xb4: {  	_ =	strace $0x90000048  }
0xb5: {  	_ =	sfence  }
0xb6: {  	s30 =	sld [smem:$0x0];
	_ =	sdelay $0x2  }
0xb7: {  	s31 =	sshll.u32 s1, $0xD;
	s1 =	sshrl.u32 s1, $0x2  }
0xb8: {  	s3 =	sand.u32 $0x4000, s31;
	s1 =	sadd.s32 s1, s30  }
0xb9: {  	s0 =	sor.u32 s3, s0;
	s1 =	sshll.u32 s1, $0x11  }
0xba: {  	s0 =	sor.u32 s1, s0  }
0xbb: {  	s0 =	sadd.s32 $0x8F2B, s0  }
0xbc: {  	[sflag:s0] =	ssyncadd.remote.s32 $0x1  }
0xbd: {  	_ =	sfence.sel $0xFFFF  }
0xbe: {  	[dreg:$0x0] =	wrdreg $0xFFFFFFFF;
	(pc) =	sbr.abs _section_cstart, $3  }
0xbf: {  	[dreg:$0x1] =	wrdreg $0xFFFFFFFF  }
0xc0: {  	_ =	task.clear_ibuf [dreg:s6], $0x2FFFF;
	_ =	strace $0x9FFFFFFF  }
0xc1: {  	(tm) =	ssettm $0x7FFFFFFF  }
tec
execute0_lowered:
.L_overlay_start_1:
0x0: {  	(tag) =	ssettag $0x1  }
0x1: {  	s3 =	rddreg [dreg:$0x0]  }
0x2: {  	s0 =	rddreg [dreg:$0x1];
	s2 =	simm.s32 $0x0  }
0x3: {  	s4 =	srdreg.scid;
	s1 =	stileid.u32;
	s13 =	simm.s32 $0x4000  }
0x4: {  	s14 =	simm.s32 $0x1;
	s15 =	simm.s32 $0x8000;
	s16 =	simm.s32 $0x2  }
0x5: {  	s17 =	simm.s32 $0x80;
	s18 =	simm.s32 $0x400;
	s19 =	simm.s32 $0x3  }
0x6: {  	s20 =	simm.s32 $0x0;
	[smem:$0x7FF] =	sst s2;
	s4 =	sand.u32 $0x1, s4  }
0x7: {  	s5 =	sshll.u32 s1, $0x1;
	s6 =	sshll.u32 s1, $0xD;
	_ =	strace $0x80000047  }
0x8: {  	s5 =	sor.u32 s4, s5;
	s4 =	ssub.s32 $0x2, s4;
	s6 =	sand.u32 $0x18000, s6  }
0x9: {  	s7 =	sshll.u32 s5, $0xE;
	s8 =	sshrl.u32 s4, $0x1;
	s9 =	sadd.s32 s6, s3  }
0xa: {  	s31 =	sshll.u32 s5, $0x4;
	s10 =	sadd.s32 s7, s3;
	s12 =	ssub.s32 s4, s8  }
0xb: {  	s11 =	sand.u32 $0x70, s31;
	s3 =	sadd.s32 $0x82000, s10;
	s4 =	sadd.s32 $0x82800, s10  }
0xc: {  	s5 =	sadd.s32 $0x83000, s10;
	s6 =	sadd.s32 $0x83800, s10;
	s7 =	sadd.s32 $0x84000, s10  }
0xd: {  	s8 =	sadd.s32 $0x84800, s10;
	s11 =	sadd.s32 s11, s9;
	s9 =	sadd.s32 $0x85000, s10  }
0xe: {  	v0 =	vimm.s32 $0x0;
	v1 =	vimm.s32 $0x1;
	s10 =	sadd.s32 $0x85800, s10;
	s12 =	smax.u32 s12, $0x1;
	s11 =	sadd.s32 $0x102000, s11  }
.LBB2_1:
0xf: {  	s21 =	simm.s32 $0x8040  }
0x10: {  	[tilespmem:s21+$0xFFFFFFC0] =	vst v0  }
0x11: {  	[tilespmem:s21+$0x30] =	vst v0  }
0x12: {  	[tilespmem:s21+$0x20] =	vst v0  }
0x13: {  	[tilespmem:s21+$0x10] =	vst v0  }
0x14: {  	[tilespmem:s21+$0x0] =	vst v0  }
0x15: {  	[tilespmem:s21+$0xFFFFFFF0] =	vst v0  }
0x16: {  	s22 =	simm.s32 $0x0;
	[tilespmem:s21+$0xFFFFFFE0] =	vst v0  }
.LBB2_2:
0x17: {  	s22 =	sadd.s32 $0x8, s22;
	[tilespmem:s21+$0xFFFFFFD0] =	vst v0;
	s21 =	sadd.s32 $0x80, s21  }
0x18: {  	[tilespmem:s21+$0xFFFFFFC0] =	vst v0;
	p0 =	slt.u32 s22, $0x7F8  }
0x19: {  	[tilespmem:s21+$0x30] =	vst v0  }
.Ltmp0:
0x1a: {  	[tilespmem:s21+$0x20] =	vst v0;
	(pc) =	sbr.rel @p0 .LBB2_2-.Ltmp0, $4  }
0x1b: {  	[tilespmem:s21+$0x10] =	vst v0  }
0x1c: {  	[tilespmem:s21+$0x0] =	vst v0  }
0x1d: {  	[tilespmem:s21+$0xFFFFFFF0] =	vst v0  }
0x1e: {  	[tilespmem:s21+$0xFFFFFFE0] =	vst v0  }
0x1f: {  	[tilespmem:s21+$0xFFFFFFD0] =	vst v0  }
0x20: {  	[tilespmem:s2], [sflag:$0x1] =	stream.linear.gather [hbm4b:s3+s2], $0x4000, $0x38;
	[tilespmem:$0x10000] =	vst v63  }
0x21: {  	_ = 	snop  }
0x22: {  	[tilespmem:s13], [sflag:$0x2] =	stream.linear.gather [hbm4b:s4+s2], $0x4000, $0x38;
	[tilespmem:$0x10000] =	vst v63  }
0x23: {  	_ =	swait.ge [sflag:s14], $0x4000  }
0x24: {  	[sflag:s14] =	ssyncset.done $0x0  }
0x25: {  	s31 =	simm.s32 $0x40;
	[sflag:s14] =	ssyncadd.s32 $0xFFFFC000  }
0x26: {  	v2 =	vld [tilespmem:s31+$0x30]  }
0x27: {  	v3 =	vld [tilespmem:s31+$0xFFFFFFD0]  }
0x28: {  	v4 =	vld [tilespmem:s31+$0xFFFFFFE0]  }
0x29: {  	v5 =	vld [tilespmem:s31+$0xFFFFFFF0]  }
0x2a: {  	v6 =	vld [tilespmem:s31+$0x0]  }
0x2b: {  	v7 =	vld [tilespmem:s31+$0x10];
	v2 =	vshra.s32 v2, $0x10  }
0x2c: {  	v3 =	vshra.s32 v3, $0x10  }
0x2d: {  	v4 =	vshra.s32 v4, $0x10  }
0x2e: {  	v8 =	vld [tilespmem:s31+$0x20];
	v5 =	vshra.s32 v5, $0x10  }
0x2f: {  	v9 =	vld [tilespmem:s31+$0xFFFFFFC0];
	v6 =	vshra.s32 v6, $0x10  }
0x30: {  	v7 =	vshra.s32 v7, $0x10;
	[tilespmem:v2+s15+$0x0] =	vst.idx.add.s32.msk $0xffff, v1  }
0x31: {  	[tilespmem:v3+s15+$0x0] =	vst.idx.add.s32.msk $0xffff, v1  }
0x32: {  	[tilespmem:v4+s15+$0x0] =	vst.idx.add.s32.msk $0xffff, v1  }
0x33: {  	[tilespmem:v5+s15+$0x0] =	vst.idx.add.s32.msk $0xffff, v1  }
0x34: {  	[tilespmem:v6+s15+$0x0] =	vst.idx.add.s32.msk $0xffff, v1  }
0x35: {  	s21 =	simm.s32 $0x0;
	s22 =	simm.s32 $0xC0;
	v2 =	vshra.s32 v8, $0x10;
	v3 =	vshra.s32 v9, $0x10;
	[tilespmem:v7+s15+$0x0] =	vst.idx.add.s32.msk $0xffff, v1  }
.LBB2_4:
0x36: {  	v4 =	vld [tilespmem:s22+$0x30];
	s21 =	sadd.s32 $0x8, s21  }
0x37: {  	v5 =	vld [tilespmem:s22+$0xFFFFFFD0];
	p0 =	slt.u32 s21, $0x3F8  }
0x38: {  	v6 =	vld [tilespmem:s22+$0xFFFFFFE0]  }
0x39: {  	v7 =	vld [tilespmem:s22+$0xFFFFFFF0]  }
0x3a: {  	v8 =	vld [tilespmem:s22+$0x0]  }
0x3b: {  	v9 =	vld [tilespmem:s22+$0x10];
	v4 =	vshra.s32 v4, $0x10  }
0x3c: {  	v5 =	vshra.s32 v5, $0x10;
	v10 =	vld [tilespmem:s22+$0x20]  }
0x3d: {  	v11 =	vld [tilespmem:s22+$0xFFFFFFC0];
	v6 =	vshra.s32 v6, $0x10  }
0x3e: {  	v7 =	vshra.s32 v7, $0x10;
	[tilespmem:v3+s15+$0x0] =	vst.idx.add.s32.msk $0xffff, v1  }
0x3f: {  	v8 =	vshra.s32 v8, $0x10;
	[tilespmem:v2+s15+$0x0] =	vst.idx.add.s32.msk $0xffff, v1  }
0x40: {  	v9 =	vshra.s32 v9, $0x10;
	[tilespmem:v4+s15+$0x0] =	vst.idx.add.s32.msk $0xffff, v1  }
.Ltmp1:
0x41: {  	[tilespmem:v5+s15+$0x0] =	vst.idx.add.s32.msk $0xffff, v1;
	v2 =	vshra.s32 v10, $0x10;
	(pc) =	sbr.rel @p0 .LBB2_4-.Ltmp1, $4  }
0x42: {  	v3 =	vshra.s32 v11, $0x10;
	[tilespmem:v6+s15+$0x0] =	vst.idx.add.s32.msk $0xffff, v1  }
0x43: {  	[tilespmem:v7+s15+$0x0] =	vst.idx.add.s32.msk $0xffff, v1  }
0x44: {  	[tilespmem:v8+s15+$0x0] =	vst.idx.add.s32.msk $0xffff, v1  }
0x45: {  	s22 =	sadd.s32 $0x80, s22;
	[tilespmem:v9+s15+$0x0] =	vst.idx.add.s32.msk $0xffff, v1  }
0x46: {  	_ =	sdelay $0x3  }
0x47: {  	[tilespmem:v3+s15+$0x0] =	vst.idx.add.s32.msk $0xffff, v1  }
0x48: {  	[tilespmem:v2+s15+$0x0] =	vst.idx.add.s32.msk $0xffff, v1  }
0x49: {  	[tilespmem:s2], [sflag:$0x1] =	stream.linear.gather [hbm4b:s5+s2], $0x4000, $0x38;
	[tilespmem:$0x10000] =	vst v63  }
0x4a: {  	_ =	swait.ge [sflag:s16], $0x4000  }
0x4b: {  	[sflag:s16] =	ssyncset.done $0x0  }
0x4c: {  	s21 =	simm.s32 $0x4040;
	[sflag:s16] =	ssyncadd.s32 $0xFFFFC000  }
0x4d: {  	v2 =	vld [tilespmem:s21+$0x30]  }
0x4e: {  	v3 =	vld [tilespmem:s21+$0xFFFFFFD0]  }
0x4f: {  	v4 =	vld [tilespmem:s21+$0xFFFFFFE0]  }
0x50: {  	v5 =	vld [tilespmem:s21+$0xFFFFFFF0]  }
0x51: {  	v6 =	vld [tilespmem:s21+$0x0]  }
0x52: {  	v7 =	vld [tilespmem:s21+$0x10];
	v2 =	vshra.s32 v2, $0x10  }
0x53: {  	v3 =	vshra.s32 v3, $0x10  }
0x54: {  	v4 =	vshra.s32 v4, $0x10  }
0x55: {  	v8 =	vld [tilespmem:s21+$0x20];
	v5 =	vshra.s32 v5, $0x10  }
0x56: {  	v9 =	vld [tilespmem:s21+$0xFFFFFFC0];
	v6 =	vshra.s32 v6, $0x10  }
0x57: {  	v7 =	vshra.s32 v7, $0x10;
	[tilespmem:v2+s15+$0x0] =	vst.idx.add.s32.msk $0xffff, v1  }
0x58: {  	[tilespmem:v3+s15+$0x0] =	vst.idx.add.s32.msk $0xffff, v1  }
0x59: {  	[tilespmem:v4+s15+$0x0] =	vst.idx.add.s32.msk $0xffff, v1  }
0x5a: {  	[tilespmem:v5+s15+$0x0] =	vst.idx.add.s32.msk $0xffff, v1  }
0x5b: {  	[tilespmem:v6+s15+$0x0] =	vst.idx.add.s32.msk $0xffff, v1  }
0x5c: {  	s22 =	simm.s32 $0x40C0;
	s21 =	simm.s32 $0x0;
	v2 =	vshra.s32 v8, $0x10;
	v3 =	vshra.s32 v9, $0x10;
	[tilespmem:v7+s15+$0x0] =	vst.idx.add.s32.msk $0xffff, v1  }
.LBB2_6:
0x5d: {  	v4 =	vld [tilespmem:s22+$0x30];
	s21 =	sadd.s32 $0x8, s21  }
0x5e: {  	v5 =	vld [tilespmem:s22+$0xFFFFFFD0];
	p0 =	slt.u32 s21, $0x3F8  }
0x5f: {  	v6 =	vld [tilespmem:s22+$0xFFFFFFE0]  }
0x60: {  	v7 =	vld [tilespmem:s22+$0xFFFFFFF0]  }
0x61: {  	v8 =	vld [tilespmem:s22+$0x0]  }
0x62: {  	v9 =	vld [tilespmem:s22+$0x10];
	v4 =	vshra.s32 v4, $0x10  }
0x63: {  	v5 =	vshra.s32 v5, $0x10;
	v10 =	vld [tilespmem:s22+$0x20]  }
0x64: {  	v11 =	vld [tilespmem:s22+$0xFFFFFFC0];
	v6 =	vshra.s32 v6, $0x10  }
0x65: {  	v7 =	vshra.s32 v7, $0x10;
	[tilespmem:v3+s15+$0x0] =	vst.idx.add.s32.msk $0xffff, v1  }
0x66: {  	v8 =	vshra.s32 v8, $0x10;
	[tilespmem:v2+s15+$0x0] =	vst.idx.add.s32.msk $0xffff, v1  }
0x67: {  	v9 =	vshra.s32 v9, $0x10;
	[tilespmem:v4+s15+$0x0] =	vst.idx.add.s32.msk $0xffff, v1  }
.Ltmp2:
0x68: {  	[tilespmem:v5+s15+$0x0] =	vst.idx.add.s32.msk $0xffff, v1;
	v2 =	vshra.s32 v10, $0x10;
	(pc) =	sbr.rel @p0 .LBB2_6-.Ltmp2, $4  }
0x69: {  	v3 =	vshra.s32 v11, $0x10;
	[tilespmem:v6+s15+$0x0] =	vst.idx.add.s32.msk $0xffff, v1  }
0x6a: {  	[tilespmem:v7+s15+$0x0] =	vst.idx.add.s32.msk $0xffff, v1  }
0x6b: {  	[tilespmem:v8+s15+$0x0] =	vst.idx.add.s32.msk $0xffff, v1  }
0x6c: {  	s22 =	sadd.s32 $0x80, s22;
	[tilespmem:v9+s15+$0x0] =	vst.idx.add.s32.msk $0xffff, v1  }
0x6d: {  	_ =	sdelay $0x3  }
0x6e: {  	[tilespmem:v3+s15+$0x0] =	vst.idx.add.s32.msk $0xffff, v1  }
0x6f: {  	[tilespmem:v2+s15+$0x0] =	vst.idx.add.s32.msk $0xffff, v1  }
0x70: {  	[tilespmem:s13], [sflag:$0x2] =	stream.linear.gather [hbm4b:s6+s2], $0x4000, $0x38;
	[tilespmem:$0x10000] =	vst v63  }
0x71: {  	_ =	swait.ge [sflag:s14], $0x4000  }
0x72: {  	[sflag:s14] =	ssyncset.done $0x0  }
0x73: {  	s21 =	simm.s32 $0x40;
	[sflag:s14] =	ssyncadd.s32 $0xFFFFC000  }
0x74: {  	v2 =	vld [tilespmem:s21+$0x30]  }
0x75: {  	v3 =	vld [tilespmem:s21+$0xFFFFFFD0]  }
0x76: {  	v4 =	vld [tilespmem:s21+$0xFFFFFFE0]  }
0x77: {  	v5 =	vld [tilespmem:s21+$0xFFFFFFF0]  }
0x78: {  	v6 =	vld [tilespmem:s21+$0x0]  }
0x79: {  	v7 =	vld [tilespmem:s21+$0x10];
	v2 =	vshra.s32 v2, $0x10  }
0x7a: {  	v3 =	vshra.s32 v3, $0x10  }
0x7b: {  	v4 =	vshra.s32 v4, $0x10  }
0x7c: {  	v8 =	vld [tilespmem:s21+$0x20];
	v5 =	vshra.s32 v5, $0x10  }
0x7d: {  	v9 =	vld [tilespmem:s21+$0xFFFFFFC0];
	v6 =	vshra.s32 v6, $0x10  }
0x7e: {  	v7 =	vshra.s32 v7, $0x10;
	[tilespmem:v2+s15+$0x0] =	vst.idx.add.s32.msk $0xffff, v1  }
0x7f: {  	[tilespmem:v3+s15+$0x0] =	vst.idx.add.s32.msk $0xffff, v1  }
0x80: {  	[tilespmem:v4+s15+$0x0] =	vst.idx.add.s32.msk $0xffff, v1  }
0x81: {  	[tilespmem:v5+s15+$0x0] =	vst.idx.add.s32.msk $0xffff, v1  }
0x82: {  	[tilespmem:v6+s15+$0x0] =	vst.idx.add.s32.msk $0xffff, v1  }
0x83: {  	s22 =	simm.s32 $0xC0;
	s21 =	simm.s32 $0x0;
	v2 =	vshra.s32 v8, $0x10;
	v3 =	vshra.s32 v9, $0x10;
	[tilespmem:v7+s15+$0x0] =	vst.idx.add.s32.msk $0xffff, v1  }
.LBB2_8:
0x84: {  	v4 =	vld [tilespmem:s22+$0x30];
	s21 =	sadd.s32 $0x8, s21  }
0x85: {  	v5 =	vld [tilespmem:s22+$0xFFFFFFD0];
	p0 =	slt.u32 s21, $0x3F8  }
0x86: {  	v6 =	vld [tilespmem:s22+$0xFFFFFFE0]  }
0x87: {  	v7 =	vld [tilespmem:s22+$0xFFFFFFF0]  }
0x88: {  	v8 =	vld [tilespmem:s22+$0x0]  }
0x89: {  	v9 =	vld [tilespmem:s22+$0x10];
	v4 =	vshra.s32 v4, $0x10  }
0x8a: {  	v5 =	vshra.s32 v5, $0x10;
	v10 =	vld [tilespmem:s22+$0x20]  }
0x8b: {  	v11 =	vld [tilespmem:s22+$0xFFFFFFC0];
	v6 =	vshra.s32 v6, $0x10  }
0x8c: {  	v7 =	vshra.s32 v7, $0x10;
	[tilespmem:v3+s15+$0x0] =	vst.idx.add.s32.msk $0xffff, v1  }
0x8d: {  	v8 =	vshra.s32 v8, $0x10;
	[tilespmem:v2+s15+$0x0] =	vst.idx.add.s32.msk $0xffff, v1  }
0x8e: {  	v9 =	vshra.s32 v9, $0x10;
	[tilespmem:v4+s15+$0x0] =	vst.idx.add.s32.msk $0xffff, v1  }
.Ltmp3:
0x8f: {  	[tilespmem:v5+s15+$0x0] =	vst.idx.add.s32.msk $0xffff, v1;
	v2 =	vshra.s32 v10, $0x10;
	(pc) =	sbr.rel @p0 .LBB2_8-.Ltmp3, $4  }
0x90: {  	v3 =	vshra.s32 v11, $0x10;
	[tilespmem:v6+s15+$0x0] =	vst.idx.add.s32.msk $0xffff, v1  }
0x91: {  	[tilespmem:v7+s15+$0x0] =	vst.idx.add.s32.msk $0xffff, v1  }
0x92: {  	[tilespmem:v8+s15+$0x0] =	vst.idx.add.s32.msk $0xffff, v1  }
0x93: {  	s22 =	sadd.s32 $0x80, s22;
	[tilespmem:v9+s15+$0x0] =	vst.idx.add.s32.msk $0xffff, v1  }
0x94: {  	_ =	sdelay $0x3  }
0x95: {  	[tilespmem:v3+s15+$0x0] =	vst.idx.add.s32.msk $0xffff, v1  }
0x96: {  	[tilespmem:v2+s15+$0x0] =	vst.idx.add.s32.msk $0xffff, v1  }
0x97: {  	[tilespmem:s2], [sflag:$0x1] =	stream.linear.gather [hbm4b:s7+s2], $0x4000, $0x38;
	[tilespmem:$0x10000] =	vst v63  }
0x98: {  	_ =	swait.ge [sflag:s16], $0x4000  }
0x99: {  	[sflag:s16] =	ssyncset.done $0x0  }
0x9a: {  	s21 =	simm.s32 $0x4040;
	[sflag:s16] =	ssyncadd.s32 $0xFFFFC000  }
0x9b: {  	v2 =	vld [tilespmem:s21+$0x30]  }
0x9c: {  	v3 =	vld [tilespmem:s21+$0xFFFFFFD0]  }
0x9d: {  	v4 =	vld [tilespmem:s21+$0xFFFFFFE0]  }
0x9e: {  	v5 =	vld [tilespmem:s21+$0xFFFFFFF0]  }
0x9f: {  	v6 =	vld [tilespmem:s21+$0x0]  }
0xa0: {  	v7 =	vld [tilespmem:s21+$0x10];
	v2 =	vshra.s32 v2, $0x10  }
0xa1: {  	v3 =	vshra.s32 v3, $0x10  }
0xa2: {  	v4 =	vshra.s32 v4, $0x10  }
0xa3: {  	v8 =	vld [tilespmem:s21+$0x20];
	v5 =	vshra.s32 v5, $0x10  }
0xa4: {  	v9 =	vld [tilespmem:s21+$0xFFFFFFC0];
	v6 =	vshra.s32 v6, $0x10  }
0xa5: {  	v7 =	vshra.s32 v7, $0x10;
	[tilespmem:v2+s15+$0x0] =	vst.idx.add.s32.msk $0xffff, v1  }
0xa6: {  	[tilespmem:v3+s15+$0x0] =	vst.idx.add.s32.msk $0xffff, v1  }
0xa7: {  	[tilespmem:v4+s15+$0x0] =	vst.idx.add.s32.msk $0xffff, v1  }
0xa8: {  	[tilespmem:v5+s15+$0x0] =	vst.idx.add.s32.msk $0xffff, v1  }
0xa9: {  	[tilespmem:v6+s15+$0x0] =	vst.idx.add.s32.msk $0xffff, v1  }
0xaa: {  	s22 =	simm.s32 $0x40C0;
	s21 =	simm.s32 $0x0;
	v2 =	vshra.s32 v8, $0x10;
	v3 =	vshra.s32 v9, $0x10;
	[tilespmem:v7+s15+$0x0] =	vst.idx.add.s32.msk $0xffff, v1  }
.LBB2_10:
0xab: {  	v4 =	vld [tilespmem:s22+$0x30];
	s21 =	sadd.s32 $0x8, s21  }
0xac: {  	v5 =	vld [tilespmem:s22+$0xFFFFFFD0];
	p0 =	slt.u32 s21, $0x3F8  }
0xad: {  	v6 =	vld [tilespmem:s22+$0xFFFFFFE0]  }
0xae: {  	v7 =	vld [tilespmem:s22+$0xFFFFFFF0]  }
0xaf: {  	v8 =	vld [tilespmem:s22+$0x0]  }
0xb0: {  	v9 =	vld [tilespmem:s22+$0x10];
	v4 =	vshra.s32 v4, $0x10  }
0xb1: {  	v5 =	vshra.s32 v5, $0x10;
	v10 =	vld [tilespmem:s22+$0x20]  }
0xb2: {  	v11 =	vld [tilespmem:s22+$0xFFFFFFC0];
	v6 =	vshra.s32 v6, $0x10  }
0xb3: {  	v7 =	vshra.s32 v7, $0x10;
	[tilespmem:v3+s15+$0x0] =	vst.idx.add.s32.msk $0xffff, v1  }
0xb4: {  	v8 =	vshra.s32 v8, $0x10;
	[tilespmem:v2+s15+$0x0] =	vst.idx.add.s32.msk $0xffff, v1  }
0xb5: {  	v9 =	vshra.s32 v9, $0x10;
	[tilespmem:v4+s15+$0x0] =	vst.idx.add.s32.msk $0xffff, v1  }
.Ltmp4:
0xb6: {  	[tilespmem:v5+s15+$0x0] =	vst.idx.add.s32.msk $0xffff, v1;
	v2 =	vshra.s32 v10, $0x10;
	(pc) =	sbr.rel @p0 .LBB2_10-.Ltmp4, $4  }
0xb7: {  	v3 =	vshra.s32 v11, $0x10;
	[tilespmem:v6+s15+$0x0] =	vst.idx.add.s32.msk $0xffff, v1  }
0xb8: {  	[tilespmem:v7+s15+$0x0] =	vst.idx.add.s32.msk $0xffff, v1  }
0xb9: {  	[tilespmem:v8+s15+$0x0] =	vst.idx.add.s32.msk $0xffff, v1  }
0xba: {  	s22 =	sadd.s32 $0x80, s22;
	[tilespmem:v9+s15+$0x0] =	vst.idx.add.s32.msk $0xffff, v1  }
0xbb: {  	_ =	sdelay $0x3  }
0xbc: {  	[tilespmem:v3+s15+$0x0] =	vst.idx.add.s32.msk $0xffff, v1  }
0xbd: {  	[tilespmem:v2+s15+$0x0] =	vst.idx.add.s32.msk $0xffff, v1  }
0xbe: {  	[tilespmem:s13], [sflag:$0x2] =	stream.linear.gather [hbm4b:s8+s2], $0x4000, $0x38;
	[tilespmem:$0x10000] =	vst v63  }
0xbf: {  	_ =	swait.ge [sflag:s14], $0x4000  }
0xc0: {  	[sflag:s14] =	ssyncset.done $0x0  }
0xc1: {  	s21 =	simm.s32 $0x40;
	[sflag:s14] =	ssyncadd.s32 $0xFFFFC000  }
0xc2: {  	v2 =	vld [tilespmem:s21+$0x30]  }
0xc3: {  	v3 =	vld [tilespmem:s21+$0xFFFFFFD0]  }
0xc4: {  	v4 =	vld [tilespmem:s21+$0xFFFFFFE0]  }
0xc5: {  	v5 =	vld [tilespmem:s21+$0xFFFFFFF0]  }
0xc6: {  	v6 =	vld [tilespmem:s21+$0x0]  }
0xc7: {  	v7 =	vld [tilespmem:s21+$0x10];
	v2 =	vshra.s32 v2, $0x10  }
0xc8: {  	v3 =	vshra.s32 v3, $0x10  }
0xc9: {  	v4 =	vshra.s32 v4, $0x10  }
0xca: {  	v8 =	vld [tilespmem:s21+$0x20];
	v5 =	vshra.s32 v5, $0x10  }
0xcb: {  	v9 =	vld [tilespmem:s21+$0xFFFFFFC0];
	v6 =	vshra.s32 v6, $0x10  }
0xcc: {  	v7 =	vshra.s32 v7, $0x10;
	[tilespmem:v2+s15+$0x0] =	vst.idx.add.s32.msk $0xffff, v1  }
0xcd: {  	[tilespmem:v3+s15+$0x0] =	vst.idx.add.s32.msk $0xffff, v1  }
0xce: {  	[tilespmem:v4+s15+$0x0] =	vst.idx.add.s32.msk $0xffff, v1  }
0xcf: {  	[tilespmem:v5+s15+$0x0] =	vst.idx.add.s32.msk $0xffff, v1  }
0xd0: {  	[tilespmem:v6+s15+$0x0] =	vst.idx.add.s32.msk $0xffff, v1  }
0xd1: {  	s22 =	simm.s32 $0xC0;
	s21 =	simm.s32 $0x0;
	v2 =	vshra.s32 v8, $0x10;
	v3 =	vshra.s32 v9, $0x10;
	[tilespmem:v7+s15+$0x0] =	vst.idx.add.s32.msk $0xffff, v1  }
.LBB2_12:
0xd2: {  	v4 =	vld [tilespmem:s22+$0x30];
	s21 =	sadd.s32 $0x8, s21  }
0xd3: {  	v5 =	vld [tilespmem:s22+$0xFFFFFFD0];
	p0 =	slt.u32 s21, $0x3F8  }
0xd4: {  	v6 =	vld [tilespmem:s22+$0xFFFFFFE0]  }
0xd5: {  	v7 =	vld [tilespmem:s22+$0xFFFFFFF0]  }
0xd6: {  	v8 =	vld [tilespmem:s22+$0x0]  }
0xd7: {  	v9 =	vld [tilespmem:s22+$0x10];
	v4 =	vshra.s32 v4, $0x10  }
0xd8: {  	v5 =	vshra.s32 v5, $0x10;
	v10 =	vld [tilespmem:s22+$0x20]  }
0xd9: {  	v11 =	vld [tilespmem:s22+$0xFFFFFFC0];
	v6 =	vshra.s32 v6, $0x10  }
0xda: {  	v7 =	vshra.s32 v7, $0x10;
	[tilespmem:v3+s15+$0x0] =	vst.idx.add.s32.msk $0xffff, v1  }
0xdb: {  	v8 =	vshra.s32 v8, $0x10;
	[tilespmem:v2+s15+$0x0] =	vst.idx.add.s32.msk $0xffff, v1  }
0xdc: {  	v9 =	vshra.s32 v9, $0x10;
	[tilespmem:v4+s15+$0x0] =	vst.idx.add.s32.msk $0xffff, v1  }
.Ltmp5:
0xdd: {  	[tilespmem:v5+s15+$0x0] =	vst.idx.add.s32.msk $0xffff, v1;
	v2 =	vshra.s32 v10, $0x10;
	(pc) =	sbr.rel @p0 .LBB2_12-.Ltmp5, $4  }
0xde: {  	v3 =	vshra.s32 v11, $0x10;
	[tilespmem:v6+s15+$0x0] =	vst.idx.add.s32.msk $0xffff, v1  }
0xdf: {  	[tilespmem:v7+s15+$0x0] =	vst.idx.add.s32.msk $0xffff, v1  }
0xe0: {  	[tilespmem:v8+s15+$0x0] =	vst.idx.add.s32.msk $0xffff, v1  }
0xe1: {  	s22 =	sadd.s32 $0x80, s22;
	[tilespmem:v9+s15+$0x0] =	vst.idx.add.s32.msk $0xffff, v1  }
0xe2: {  	_ =	sdelay $0x3  }
0xe3: {  	[tilespmem:v3+s15+$0x0] =	vst.idx.add.s32.msk $0xffff, v1  }
0xe4: {  	[tilespmem:v2+s15+$0x0] =	vst.idx.add.s32.msk $0xffff, v1  }
0xe5: {  	[tilespmem:s2], [sflag:$0x1] =	stream.linear.gather [hbm4b:s9+s2], $0x4000, $0x38;
	[tilespmem:$0x10000] =	vst v63  }
0xe6: {  	_ =	swait.ge [sflag:s16], $0x4000  }
0xe7: {  	[sflag:s16] =	ssyncset.done $0x0  }
0xe8: {  	s21 =	simm.s32 $0x4040;
	[sflag:s16] =	ssyncadd.s32 $0xFFFFC000  }
0xe9: {  	v2 =	vld [tilespmem:s21+$0x30]  }
0xea: {  	v3 =	vld [tilespmem:s21+$0xFFFFFFD0]  }
0xeb: {  	v4 =	vld [tilespmem:s21+$0xFFFFFFE0]  }
0xec: {  	v5 =	vld [tilespmem:s21+$0xFFFFFFF0]  }
0xed: {  	v6 =	vld [tilespmem:s21+$0x0]  }
0xee: {  	v7 =	vld [tilespmem:s21+$0x10];
	v2 =	vshra.s32 v2, $0x10  }
0xef: {  	v3 =	vshra.s32 v3, $0x10  }
0xf0: {  	v4 =	vshra.s32 v4, $0x10  }
0xf1: {  	v8 =	vld [tilespmem:s21+$0x20];
	v5 =	vshra.s32 v5, $0x10  }
0xf2: {  	v9 =	vld [tilespmem:s21+$0xFFFFFFC0];
	v6 =	vshra.s32 v6, $0x10  }
0xf3: {  	v7 =	vshra.s32 v7, $0x10;
	[tilespmem:v2+s15+$0x0] =	vst.idx.add.s32.msk $0xffff, v1  }
0xf4: {  	[tilespmem:v3+s15+$0x0] =	vst.idx.add.s32.msk $0xffff, v1  }
0xf5: {  	[tilespmem:v4+s15+$0x0] =	vst.idx.add.s32.msk $0xffff, v1  }
0xf6: {  	[tilespmem:v5+s15+$0x0] =	vst.idx.add.s32.msk $0xffff, v1  }
0xf7: {  	[tilespmem:v6+s15+$0x0] =	vst.idx.add.s32.msk $0xffff, v1  }
0xf8: {  	s22 =	simm.s32 $0x40C0;
	s21 =	simm.s32 $0x0;
	v2 =	vshra.s32 v8, $0x10;
	v3 =	vshra.s32 v9, $0x10;
	[tilespmem:v7+s15+$0x0] =	vst.idx.add.s32.msk $0xffff, v1  }
.LBB2_14:
0xf9: {  	v4 =	vld [tilespmem:s22+$0x30];
	s21 =	sadd.s32 $0x8, s21  }
0xfa: {  	v5 =	vld [tilespmem:s22+$0xFFFFFFD0];
	p0 =	slt.u32 s21, $0x3F8  }
0xfb: {  	v6 =	vld [tilespmem:s22+$0xFFFFFFE0]  }
0xfc: {  	v7 =	vld [tilespmem:s22+$0xFFFFFFF0]  }
0xfd: {  	v8 =	vld [tilespmem:s22+$0x0]  }
0xfe: {  	v9 =	vld [tilespmem:s22+$0x10];
	v4 =	vshra.s32 v4, $0x10  }
0xff: {  	v5 =	vshra.s32 v5, $0x10;
	v10 =	vld [tilespmem:s22+$0x20]  }
0x100: {  	v11 =	vld [tilespmem:s22+$0xFFFFFFC0];
	v6 =	vshra.s32 v6, $0x10  }
0x101: {  	v7 =	vshra.s32 v7, $0x10;
	[tilespmem:v3+s15+$0x0] =	vst.idx.add.s32.msk $0xffff, v1  }
0x102: {  	v8 =	vshra.s32 v8, $0x10;
	[tilespmem:v2+s15+$0x0] =	vst.idx.add.s32.msk $0xffff, v1  }
0x103: {  	v9 =	vshra.s32 v9, $0x10;
	[tilespmem:v4+s15+$0x0] =	vst.idx.add.s32.msk $0xffff, v1  }
.Ltmp6:
0x104: {  	[tilespmem:v5+s15+$0x0] =	vst.idx.add.s32.msk $0xffff, v1;
	v2 =	vshra.s32 v10, $0x10;
	(pc) =	sbr.rel @p0 .LBB2_14-.Ltmp6, $4  }
0x105: {  	v3 =	vshra.s32 v11, $0x10;
	[tilespmem:v6+s15+$0x0] =	vst.idx.add.s32.msk $0xffff, v1  }
0x106: {  	[tilespmem:v7+s15+$0x0] =	vst.idx.add.s32.msk $0xffff, v1  }
0x107: {  	[tilespmem:v8+s15+$0x0] =	vst.idx.add.s32.msk $0xffff, v1  }
0x108: {  	s22 =	sadd.s32 $0x80, s22;
	[tilespmem:v9+s15+$0x0] =	vst.idx.add.s32.msk $0xffff, v1  }
0x109: {  	_ =	sdelay $0x3  }
0x10a: {  	[tilespmem:v3+s15+$0x0] =	vst.idx.add.s32.msk $0xffff, v1  }
0x10b: {  	[tilespmem:v2+s15+$0x0] =	vst.idx.add.s32.msk $0xffff, v1  }
0x10c: {  	[tilespmem:s13], [sflag:$0x2] =	stream.linear.gather [hbm4b:s10+s2], $0x4000, $0x38;
	[tilespmem:$0x10000] =	vst v63  }
0x10d: {  	_ =	swait.ge [sflag:s14], $0x4000  }
0x10e: {  	[sflag:s14] =	ssyncset.done $0x0  }
0x10f: {  	s21 =	simm.s32 $0x40;
	[sflag:s14] =	ssyncadd.s32 $0xFFFFC000  }
0x110: {  	v2 =	vld [tilespmem:s21+$0x30]  }
0x111: {  	v3 =	vld [tilespmem:s21+$0xFFFFFFD0]  }
0x112: {  	v4 =	vld [tilespmem:s21+$0xFFFFFFE0]  }
0x113: {  	v5 =	vld [tilespmem:s21+$0xFFFFFFF0]  }
0x114: {  	v6 =	vld [tilespmem:s21+$0x0]  }
0x115: {  	v7 =	vld [tilespmem:s21+$0x10];
	v2 =	vshra.s32 v2, $0x10  }
0x116: {  	v3 =	vshra.s32 v3, $0x10  }
0x117: {  	v4 =	vshra.s32 v4, $0x10  }
0x118: {  	v8 =	vld [tilespmem:s21+$0x20];
	v5 =	vshra.s32 v5, $0x10  }
0x119: {  	v9 =	vld [tilespmem:s21+$0xFFFFFFC0];
	v6 =	vshra.s32 v6, $0x10  }
0x11a: {  	v7 =	vshra.s32 v7, $0x10;
	[tilespmem:v2+s15+$0x0] =	vst.idx.add.s32.msk $0xffff, v1  }
0x11b: {  	[tilespmem:v3+s15+$0x0] =	vst.idx.add.s32.msk $0xffff, v1  }
0x11c: {  	[tilespmem:v4+s15+$0x0] =	vst.idx.add.s32.msk $0xffff, v1  }
0x11d: {  	[tilespmem:v5+s15+$0x0] =	vst.idx.add.s32.msk $0xffff, v1  }
0x11e: {  	[tilespmem:v6+s15+$0x0] =	vst.idx.add.s32.msk $0xffff, v1  }
0x11f: {  	s22 =	simm.s32 $0xC0;
	s21 =	simm.s32 $0x0;
	v2 =	vshra.s32 v8, $0x10;
	v3 =	vshra.s32 v9, $0x10;
	[tilespmem:v7+s15+$0x0] =	vst.idx.add.s32.msk $0xffff, v1  }
.LBB2_16:
0x120: {  	v4 =	vld [tilespmem:s22+$0x30];
	s21 =	sadd.s32 $0x8, s21  }
0x121: {  	v5 =	vld [tilespmem:s22+$0xFFFFFFD0];
	p0 =	slt.u32 s21, $0x3F8  }
0x122: {  	v6 =	vld [tilespmem:s22+$0xFFFFFFE0]  }
0x123: {  	v7 =	vld [tilespmem:s22+$0xFFFFFFF0]  }
0x124: {  	v8 =	vld [tilespmem:s22+$0x0]  }
0x125: {  	v9 =	vld [tilespmem:s22+$0x10];
	v4 =	vshra.s32 v4, $0x10  }
0x126: {  	v5 =	vshra.s32 v5, $0x10;
	v10 =	vld [tilespmem:s22+$0x20]  }
0x127: {  	v11 =	vld [tilespmem:s22+$0xFFFFFFC0];
	v6 =	vshra.s32 v6, $0x10  }
0x128: {  	v7 =	vshra.s32 v7, $0x10;
	[tilespmem:v3+s15+$0x0] =	vst.idx.add.s32.msk $0xffff, v1  }
0x129: {  	v8 =	vshra.s32 v8, $0x10;
	[tilespmem:v2+s15+$0x0] =	vst.idx.add.s32.msk $0xffff, v1  }
0x12a: {  	v9 =	vshra.s32 v9, $0x10;
	[tilespmem:v4+s15+$0x0] =	vst.idx.add.s32.msk $0xffff, v1  }
.Ltmp7:
0x12b: {  	[tilespmem:v5+s15+$0x0] =	vst.idx.add.s32.msk $0xffff, v1;
	v2 =	vshra.s32 v10, $0x10;
	(pc) =	sbr.rel @p0 .LBB2_16-.Ltmp7, $4  }
0x12c: {  	v3 =	vshra.s32 v11, $0x10;
	[tilespmem:v6+s15+$0x0] =	vst.idx.add.s32.msk $0xffff, v1  }
0x12d: {  	[tilespmem:v7+s15+$0x0] =	vst.idx.add.s32.msk $0xffff, v1  }
0x12e: {  	[tilespmem:v8+s15+$0x0] =	vst.idx.add.s32.msk $0xffff, v1  }
0x12f: {  	s22 =	sadd.s32 $0x80, s22;
	[tilespmem:v9+s15+$0x0] =	vst.idx.add.s32.msk $0xffff, v1  }
0x130: {  	_ =	sdelay $0x3  }
0x131: {  	[tilespmem:v3+s15+$0x0] =	vst.idx.add.s32.msk $0xffff, v1  }
0x132: {  	[tilespmem:v2+s15+$0x0] =	vst.idx.add.s32.msk $0xffff, v1  }
0x133: {  	_ =	swait.ge [sflag:s16], $0x4000  }
0x134: {  	[sflag:s16] =	ssyncset.done $0x0  }
0x135: {  	s21 =	simm.s32 $0x4040;
	[sflag:s16] =	ssyncadd.s32 $0xFFFFC000  }
0x136: {  	v2 =	vld [tilespmem:s21+$0x30]  }
0x137: {  	v3 =	vld [tilespmem:s21+$0xFFFFFFD0]  }
0x138: {  	v4 =	vld [tilespmem:s21+$0xFFFFFFE0]  }
0x139: {  	v5 =	vld [tilespmem:s21+$0xFFFFFFF0]  }
0x13a: {  	v6 =	vld [tilespmem:s21+$0x0]  }
0x13b: {  	v7 =	vld [tilespmem:s21+$0x10];
	v2 =	vshra.s32 v2, $0x10  }
0x13c: {  	v3 =	vshra.s32 v3, $0x10  }
0x13d: {  	v4 =	vshra.s32 v4, $0x10  }
0x13e: {  	v8 =	vld [tilespmem:s21+$0x20];
	v5 =	vshra.s32 v5, $0x10  }
0x13f: {  	v9 =	vld [tilespmem:s21+$0xFFFFFFC0];
	v6 =	vshra.s32 v6, $0x10  }
0x140: {  	v7 =	vshra.s32 v7, $0x10;
	[tilespmem:v2+s15+$0x0] =	vst.idx.add.s32.msk $0xffff, v1  }
0x141: {  	[tilespmem:v3+s15+$0x0] =	vst.idx.add.s32.msk $0xffff, v1  }
0x142: {  	[tilespmem:v4+s15+$0x0] =	vst.idx.add.s32.msk $0xffff, v1  }
0x143: {  	[tilespmem:v5+s15+$0x0] =	vst.idx.add.s32.msk $0xffff, v1  }
0x144: {  	[tilespmem:v6+s15+$0x0] =	vst.idx.add.s32.msk $0xffff, v1  }
0x145: {  	s22 =	simm.s32 $0x40C0;
	s21 =	simm.s32 $0x0;
	v2 =	vshra.s32 v8, $0x10;
	v3 =	vshra.s32 v9, $0x10;
	[tilespmem:v7+s15+$0x0] =	vst.idx.add.s32.msk $0xffff, v1  }
.LBB2_18:
0x146: {  	v4 =	vld [tilespmem:s22+$0x30];
	s21 =	sadd.s32 $0x8, s21  }
0x147: {  	v5 =	vld [tilespmem:s22+$0xFFFFFFD0];
	p0 =	slt.u32 s21, $0x3F8  }
0x148: {  	v6 =	vld [tilespmem:s22+$0xFFFFFFE0]  }
0x149: {  	v7 =	vld [tilespmem:s22+$0xFFFFFFF0]  }
0x14a: {  	v8 =	vld [tilespmem:s22+$0x0]  }
0x14b: {  	v9 =	vld [tilespmem:s22+$0x10];
	v4 =	vshra.s32 v4, $0x10  }
0x14c: {  	v5 =	vshra.s32 v5, $0x10;
	v10 =	vld [tilespmem:s22+$0x20]  }
0x14d: {  	v11 =	vld [tilespmem:s22+$0xFFFFFFC0];
	v6 =	vshra.s32 v6, $0x10  }
0x14e: {  	v7 =	vshra.s32 v7, $0x10;
	[tilespmem:v3+s15+$0x0] =	vst.idx.add.s32.msk $0xffff, v1  }
0x14f: {  	v8 =	vshra.s32 v8, $0x10;
	[tilespmem:v2+s15+$0x0] =	vst.idx.add.s32.msk $0xffff, v1  }
0x150: {  	v9 =	vshra.s32 v9, $0x10;
	[tilespmem:v4+s15+$0x0] =	vst.idx.add.s32.msk $0xffff, v1  }
.Ltmp8:
0x151: {  	[tilespmem:v5+s15+$0x0] =	vst.idx.add.s32.msk $0xffff, v1;
	v2 =	vshra.s32 v10, $0x10;
	(pc) =	sbr.rel @p0 .LBB2_18-.Ltmp8, $4  }
0x152: {  	v3 =	vshra.s32 v11, $0x10;
	[tilespmem:v6+s15+$0x0] =	vst.idx.add.s32.msk $0xffff, v1  }
0x153: {  	[tilespmem:v7+s15+$0x0] =	vst.idx.add.s32.msk $0xffff, v1  }
0x154: {  	[tilespmem:v8+s15+$0x0] =	vst.idx.add.s32.msk $0xffff, v1  }
0x155: {  	s22 =	sadd.s32 $0x80, s22;
	[tilespmem:v9+s15+$0x0] =	vst.idx.add.s32.msk $0xffff, v1  }
0x156: {  	_ =	sdelay $0x2  }
0x157: {  	s20 =	sadd.s32 $0x1, s20  }
0x158: {  	[tilespmem:v3+s15+$0x0] =	vst.idx.add.s32.msk $0xffff, v1;
	p0 =	sne.s32 s20, s12  }
.Ltmp9:
0x159: {  	[tilespmem:v2+s15+$0x0] =	vst.idx.add.s32.msk $0xffff, v1;
	(pc) =	sbr.rel @p0 .LBB2_1-.Ltmp9, $4  }
0x15a: {  	[hbm4b:s11+s17] =	stream.strided.scatter [tilespmem:s15], [sflag:$0x3], $0x8000, s18, s17, $0x38;
	[tilespmem:$0x10000] =	vst v63  }
0x15b: {  	_ =	swait.ge [sflag:s19], $0x8000  }
0x15c: {  	[sflag:s19] =	ssyncset.done $0x0  }
0x15d: {  	[sflag:s19] =	ssyncadd.s32 $0xFFFF8000  }
0x15e: {  	_ =	sfence.sel $0x180000  }
0x15f: {  	[bflag:$0x0] =	sbarrier.arrive $0xFFFF  }
0x160: {  	p0 =	sne.s32 s1, $0x0;
	_ =	strace $0x90000047  }
0x161: {  	s0 =	sadd.s32 @!p0 $0x100000, s0;
	[bflag:$0x2] =	sbarrier.arrive $0xFFFF  }
0x162: {  	[sflag:s0] =	ssyncadd.tile.s32 @!p0 $0x1;
	_ =	shalt  }
.Lfunc_end2:
_tile_overlayer_lowered:
.L_overlay_start_2:
0x163: {  	(tag) =	ssettag $0x2  }
0x164: {  	s0 =	rddreg [dreg:$0x0];
	s2 =	stileid.u32  }
0x165: {  	s1 =	rddreg [dreg:$0x1];
	p0 =	sne.s32 s2, $0x0  }
0x166: {  	s3 =	rddreg [dreg:$0x2];
	[bflag:$0x3] =	sbarrier.arrive $0xFFFF;
	s2 =	simm.s32 @!p0 $0x1C03  }
0x167: {  	[timem:s3], [sflag:s2] =	dma.local @!p0 [hbm:s0], s1  }
0x168: {  	s0 =	simm.s32 @!p0 $0x3  }
0x169: {  	_ =	swait.ge @!p0 [sflag:s0], s1  }
0x16a: {  	s1 =	ssub.s32 @!p0 $0x0, s1;
	[sflag:s0] =	ssyncset.done @!p0 $0x0  }
0x16b: {  	[sflag:s0] =	ssyncadd.s32 @!p0 s1  }
0x16c: {  	[bflag:$0x3] =	sbarrier.arrive $0xFFFF  }
0x16d: {  	_ =	shalt  }

</sc_bundles>
